<compile_context>
chip_gen: v7x
topology: tpu7x:2x2x1
jax: 0.10.2.dev20260603
libtpu: 0.0.44.dev20260713+nightly
codegen_flags: <defaults>
</compile_context>

<pallas_src>
import functools

import jax
import jax.numpy as jnp
from jax import lax
from jax.experimental import pallas as pl
from jax.experimental.pallas import tpu as pltpu
from jax.experimental.pallas import tpu_sc as plsc

EMSIZE = 64
N_ROWS = 4096
N_COLS = 200
B_FLAT = N_ROWS * N_COLS

_INFO = plsc.get_sparse_core_info()
NW = _INFO.num_cores * _INFO.num_subcores
ROWS_W = N_ROWS // NW
PER_W = ROWS_W * N_COLS
CHUNK = N_COLS
NCHUNK = ROWS_W
NBUF = 4
NITER = NCHUNK // NBUF


def _sc_gather(idx_flat, table):
    mesh = plsc.VectorSubcoreMesh(core_axis_name="c", subcore_axis_name="s")

    @functools.partial(
        pl.kernel,
        mesh=mesh,
        out_type=jax.ShapeDtypeStruct((N_ROWS, N_COLS, 128), jnp.float32),
        compiler_params=pltpu.CompilerParams(use_tc_tiling_on_sc=True),
        scratch_types=[
            pltpu.VMEM((PER_W,), jnp.int32),
            pltpu.VMEM((NBUF, N_COLS, 128), jnp.float32),
            pltpu.SemaphoreType.DMA((NBUF,)),
            pltpu.SemaphoreType.DMA((NBUF,)),
        ],
    )
    def body(idx_hbm, table_hbm, out_hbm, idx_v, rows_v, gsem, wsem):
        wid = lax.axis_index("s") * _INFO.num_cores + lax.axis_index("c")
        base = wid * PER_W
        row0 = wid * ROWS_W
        pltpu.sync_copy(idx_hbm.at[pl.ds(base, PER_W)], idx_v)

        def gather_start(g, b):
            pltpu.async_copy(
                table_hbm.at[idx_v.at[pl.ds(g * CHUNK, CHUNK)]],
                rows_v.at[b],
                gsem.at[b],
            )

        def gather_wait(b):
            pltpu.make_async_copy(
                table_hbm.at[idx_v.at[pl.ds(0, CHUNK)]],
                rows_v.at[b],
                gsem.at[b],
            ).wait()

        def write_start(g, b):
            pltpu.async_copy(
                rows_v.at[b],
                out_hbm.at[row0 + g],
                wsem.at[b],
            )

        def write_wait(b):
            pltpu.make_async_copy(
                rows_v.at[b],
                out_hbm.at[row0],
                wsem.at[b],
            ).wait()

        for b in range(NBUF):
            gather_start(b, b)

        def loop_body(it, _):
            g0 = it * NBUF
            for b in range(NBUF):
                g = g0 + b
                gather_wait(b)
                write_start(g, b)

                @pl.when(g + NBUF < NCHUNK)
                def _():
                    write_wait(b)
                    gather_start(g + NBUF, b)

            return ()

        lax.fori_loop(0, NITER, loop_body, ())

        for b in range(NBUF):
            write_wait(b)

    return body(idx_flat, table)


@jax.jit
def kernel(input, table):
    idx_flat = jnp.reshape(input, (B_FLAT,)).astype(jnp.int32)
    table_pad = jnp.pad(table, ((0, 0), (0, 128 - EMSIZE)))
    out128 = _sc_gather(idx_flat, table_pad)
    return out128[:, :, :EMSIZE]

# --- scband reference (transcript-rebuilt; emitter-appended) ---
"""Pipeline reference for scband-embeddinglayer-5248450036496 (READ-ONLY COPY).

The authoritative reference and input builder live on the scoring server;
editing this copy changes nothing except your own understanding.
"""

import jax, jax.numpy as jnp
import numpy as np

INPUT_SIZE = 1000000
EMSIZE = 64

def setup_inputs(seed: int = 0) -> dict:
    key = jax.random.key(seed)
    k1, k2 = jax.random.split(key)
    indices = jax.random.randint(k1, (4096, 200), 0, INPUT_SIZE, dtype=jnp.int64 if jax.config.jax_enable_x64 else jnp.int32)
    table = jax.random.normal(k2, (INPUT_SIZE, EMSIZE), dtype=jnp.float32)
    return {"input": indices, "table": table}

def reference(input, table):
    # nn.Embedding forward: gather rows of the embedding table
    return jnp.take(table, input, axis=0)

if __name__ == "__main__":
    import jax
    _d = setup_inputs()
    print(jax.jit(kernel)(*tuple(_d.values())))

</pallas_src>

<mosaic_0001>
#map = affine_map<(d0, d1) -> (0)>
#map1 = affine_map<(d0, d1) -> (0, 0)>
#map2 = affine_map<(d0, d1) -> (0, 0, 0)>
module attributes {stable_mosaic.version = 14 : i64} {
  func.func @body(%arg0: i32, %arg1: i32, %arg2: memref<819200xi32, #tpu.memory_space<hbm>>, %arg3: memref<1000000x128xf32, #tpu.memory_space<hbm>>, %arg4: memref<4096x200x128xf32, #tpu.memory_space<hbm>>, %arg5: memref<25600xi32, #tpu.memory_space<vmem>>, %arg6: memref<4x200x128xf32, #tpu.memory_space<vmem>>, %arg7: memref<4x!tpu.dma_semaphore, #tpu.memory_space<semaphore_mem>>, %arg8: memref<4x!tpu.dma_semaphore, #tpu.memory_space<semaphore_mem>>) attributes {dimension_semantics = [#tpu.dimension_semantics<core_parallel>, #tpu.dimension_semantics<subcore_parallel>], iteration_bounds = array<i64: 2, 16>, scalar_prefetch = 0 : i64, scratch_operands = 4 : i64, tpu.core_type = #tpu.core_type<sc_vector_subcore>, window_params = [{transform_indices = #map}, {transform_indices = #map1}, {transform_indices = #map2}]} {
    %mul3A = arith.constant 2 : i32
    %mul3A_0 = arith.muli %arg1, %mul3A : i32
    %add3A = arith.addi %mul3A_0, %arg0 : i32
    %mul3A_1 = arith.constant 25600 : i32
    %mul3A_2 = arith.muli %add3A, %mul3A_1 : i32
    %mul3A_3 = arith.constant 128 : i32
    %mul3A_4 = arith.muli %add3A, %mul3A_3 : i32
    "tpu.region"() ({
      %run_scoped3A = tpu.sem_alloc : memref<!tpu.dma_semaphore, #tpu.memory_space<semaphore_mem>>
      %dma_start3A_139 = tpu.memref_slice %arg2[%mul3A_2] : memref<819200xi32, #tpu.memory_space<hbm>> -> memref<25600xi32, #tpu.memory_space<hbm>>
      %dma_start3A_140 = tpu.memref_slice %arg2[%mul3A_2] : memref<819200xi32, #tpu.memory_space<hbm>> -> memref<25600xi32, #tpu.memory_space<hbm>>
      tpu.enqueue_dma source(%dma_start3A_140 : memref<25600xi32, #tpu.memory_space<hbm>>) target(%arg5 : memref<25600xi32, #tpu.memory_space<vmem>>) target_semaphore(%run_scoped3A : memref<!tpu.dma_semaphore, #tpu.memory_space<semaphore_mem>>)
      %dma_wait3A_141 = tpu.memref_slice %arg2[%mul3A_2] : memref<819200xi32, #tpu.memory_space<hbm>> -> memref<25600xi32, #tpu.memory_space<hbm>>
      %dma_wait3A_142 = tpu.memref_slice %arg2[%mul3A_2] : memref<819200xi32, #tpu.memory_space<hbm>> -> memref<25600xi32, #tpu.memory_space<hbm>>
      tpu.wait_dma2 semaphore(%run_scoped3A : memref<!tpu.dma_semaphore, #tpu.memory_space<semaphore_mem>>) src(%dma_wait3A_142 : memref<25600xi32, #tpu.memory_space<hbm>>) dst(%arg5 : memref<25600xi32, #tpu.memory_space<vmem>>)
      tpu.yield
    }) : () -> ()
    %dma_start3A = arith.constant 0 : i32
    %dma_start3A_5 = arith.constant 0 : i32
    %dma_start3A_6 = arith.constant 0 : i32
    %dma_start3A_7 = arith.constant 0 : i32
    %dma_start3A_8 = tpu.memref_slice %arg6[%dma_start3A, %dma_start3A_6, %dma_start3A_7] : memref<4x200x128xf32, #tpu.memory_space<vmem>> -> memref<1x200x128xf32, #tpu.memory_space<vmem>>
    %dma_start3A_9 = tpu.memref_squeeze %dma_start3A_8 : memref<1x200x128xf32, #tpu.memory_space<vmem>> -> memref<200x128xf32, #tpu.memory_space<vmem>>
    %dma_start3A_10 = arith.constant 0 : i32
    %dma_start3A_11 = tpu.memref_slice %arg5[%dma_start3A_10] : memref<25600xi32, #tpu.memory_space<vmem>> -> memref<200xi32, #tpu.memory_space<vmem>>
    %dma_start3A_12 = arith.constant 0 : i32
    %dma_start3A_13 = arith.constant 0 : i32
    %dma_start3A_14 = tpu.memref_slice %arg3[%dma_start3A_12, %dma_start3A_13] : memref<1000000x128xf32, #tpu.memory_space<hbm>> -> memref<1000000x128xf32, #tpu.memory_space<hbm>>
    %dma_start3A_15 = tpu.memref_slice %arg7[%dma_start3A_5] : memref<4x!tpu.dma_semaphore, #tpu.memory_space<semaphore_mem>> -> memref<1x!tpu.dma_semaphore, #tpu.memory_space<semaphore_mem>>
    %dma_start3A_16 = tpu.memref_squeeze %dma_start3A_15 : memref<1x!tpu.dma_semaphore, #tpu.memory_space<semaphore_mem>> -> memref<!tpu.dma_semaphore, #tpu.memory_space<semaphore_mem>>
    tpu.enqueue_indirect_dma source(%dma_start3A_14 : memref<1000000x128xf32, #tpu.memory_space<hbm>>) target(%dma_start3A_9 : memref<200x128xf32, #tpu.memory_space<vmem>>) offsets(%dma_start3A_11 : memref<200xi32, #tpu.memory_space<vmem>>) semaphore(%dma_start3A_16 : memref<!tpu.dma_semaphore, #tpu.memory_space<semaphore_mem>>)
    %dma_start3A_17 = arith.constant 1 : i32
    %dma_start3A_18 = arith.constant 1 : i32
    %dma_start3A_19 = arith.constant 0 : i32
    %dma_start3A_20 = arith.constant 0 : i32
    %dma_start3A_21 = tpu.memref_slice %arg6[%dma_start3A_17, %dma_start3A_19, %dma_start3A_20] : memref<4x200x128xf32, #tpu.memory_space<vmem>> -> memref<1x200x128xf32, #tpu.memory_space<vmem>>
    %dma_start3A_22 = tpu.memref_squeeze %dma_start3A_21 : memref<1x200x128xf32, #tpu.memory_space<vmem>> -> memref<200x128xf32, #tpu.memory_space<vmem>>
    %dma_start3A_23 = arith.constant 200 : i32
    %dma_start3A_24 = tpu.memref_slice %arg5[%dma_start3A_23] : memref<25600xi32, #tpu.memory_space<vmem>> -> memref<200xi32, #tpu.memory_space<vmem>>
    %dma_start3A_25 = arith.constant 0 : i32
    %dma_start3A_26 = arith.constant 0 : i32
    %dma_start3A_27 = tpu.memref_slice %arg3[%dma_start3A_25, %dma_start3A_26] : memref<1000000x128xf32, #tpu.memory_space<hbm>> -> memref<1000000x128xf32, #tpu.memory_space<hbm>>
    %dma_start3A_28 = tpu.memref_slice %arg7[%dma_start3A_18] : memref<4x!tpu.dma_semaphore, #tpu.memory_space<semaphore_mem>> -> memref<1x!tpu.dma_semaphore, #tpu.memory_space<semaphore_mem>>
    %dma_start3A_29 = tpu.memref_squeeze %dma_start3A_28 : memref<1x!tpu.dma_semaphore, #tpu.memory_space<semaphore_mem>> -> memref<!tpu.dma_semaphore, #tpu.memory_space<semaphore_mem>>
    tpu.enqueue_indirect_dma source(%dma_start3A_27 : memref<1000000x128xf32, #tpu.memory_space<hbm>>) target(%dma_start3A_22 : memref<200x128xf32, #tpu.memory_space<vmem>>) offsets(%dma_start3A_24 : memref<200xi32, #tpu.memory_space<vmem>>) semaphore(%dma_start3A_29 : memref<!tpu.dma_semaphore, #tpu.memory_space<semaphore_mem>>)
    %dma_start3A_30 = arith.constant 2 : i32
    %dma_start3A_31 = arith.constant 2 : i32
    %dma_start3A_32 = arith.constant 0 : i32
    %dma_start3A_33 = arith.constant 0 : i32
    %dma_start3A_34 = tpu.memref_slice %arg6[%dma_start3A_30, %dma_start3A_32, %dma_start3A_33] : memref<4x200x128xf32, #tpu.memory_space<vmem>> -> memref<1x200x128xf32, #tpu.memory_space<vmem>>
    %dma_start3A_35 = tpu.memref_squeeze %dma_start3A_34 : memref<1x200x128xf32, #tpu.memory_space<vmem>> -> memref<200x128xf32, #tpu.memory_space<vmem>>
    %dma_start3A_36 = arith.constant 400 : i32
    %dma_start3A_37 = tpu.memref_slice %arg5[%dma_start3A_36] : memref<25600xi32, #tpu.memory_space<vmem>> -> memref<200xi32, #tpu.memory_space<vmem>>
    %dma_start3A_38 = arith.constant 0 : i32
    %dma_start3A_39 = arith.constant 0 : i32
    %dma_start3A_40 = tpu.memref_slice %arg3[%dma_start3A_38, %dma_start3A_39] : memref<1000000x128xf32, #tpu.memory_space<hbm>> -> memref<1000000x128xf32, #tpu.memory_space<hbm>>
    %dma_start3A_41 = tpu.memref_slice %arg7[%dma_start3A_31] : memref<4x!tpu.dma_semaphore, #tpu.memory_space<semaphore_mem>> -> memref<1x!tpu.dma_semaphore, #tpu.memory_space<semaphore_mem>>
    %dma_start3A_42 = tpu.memref_squeeze %dma_start3A_41 : memref<1x!tpu.dma_semaphore, #tpu.memory_space<semaphore_mem>> -> memref<!tpu.dma_semaphore, #tpu.memory_space<semaphore_mem>>
    tpu.enqueue_indirect_dma source(%dma_start3A_40 : memref<1000000x128xf32, #tpu.memory_space<hbm>>) target(%dma_start3A_35 : memref<200x128xf32, #tpu.memory_space<vmem>>) offsets(%dma_start3A_37 : memref<200xi32, #tpu.memory_space<vmem>>) semaphore(%dma_start3A_42 : memref<!tpu.dma_semaphore, #tpu.memory_space<semaphore_mem>>)
    %dma_start3A_43 = arith.constant 3 : i32
    %dma_start3A_44 = arith.constant 3 : i32
    %dma_start3A_45 = arith.constant 0 : i32
    %dma_start3A_46 = arith.constant 0 : i32
    %dma_start3A_47 = tpu.memref_slice %arg6[%dma_start3A_43, %dma_start3A_45, %dma_start3A_46] : memref<4x200x128xf32, #tpu.memory_space<vmem>> -> memref<1x200x128xf32, #tpu.memory_space<vmem>>
    %dma_start3A_48 = tpu.memref_squeeze %dma_start3A_47 : memref<1x200x128xf32, #tpu.memory_space<vmem>> -> memref<200x128xf32, #tpu.memory_space<vmem>>
    %dma_start3A_49 = arith.constant 600 : i32
    %dma_start3A_50 = tpu.memref_slice %arg5[%dma_start3A_49] : memref<25600xi32, #tpu.memory_space<vmem>> -> memref<200xi32, #tpu.memory_space<vmem>>
    %dma_start3A_51 = arith.constant 0 : i32
    %dma_start3A_52 = arith.constant 0 : i32
    %dma_start3A_53 = tpu.memref_slice %arg3[%dma_start3A_51, %dma_start3A_52] : memref<1000000x128xf32, #tpu.memory_space<hbm>> -> memref<1000000x128xf32, #tpu.memory_space<hbm>>
    %dma_start3A_54 = tpu.memref_slice %arg7[%dma_start3A_44] : memref<4x!tpu.dma_semaphore, #tpu.memory_space<semaphore_mem>> -> memref<1x!tpu.dma_semaphore, #tpu.memory_space<semaphore_mem>>
    %dma_start3A_55 = tpu.memref_squeeze %dma_start3A_54 : memref<1x!tpu.dma_semaphore, #tpu.memory_space<semaphore_mem>> -> memref<!tpu.dma_semaphore, #tpu.memory_space<semaphore_mem>>
    tpu.enqueue_indirect_dma source(%dma_start3A_53 : memref<1000000x128xf32, #tpu.memory_space<hbm>>) target(%dma_start3A_48 : memref<200x128xf32, #tpu.memory_space<vmem>>) offsets(%dma_start3A_50 : memref<200xi32, #tpu.memory_space<vmem>>) semaphore(%dma_start3A_55 : memref<!tpu.dma_semaphore, #tpu.memory_space<semaphore_mem>>)
    %scan3A = arith.constant 0 : i32
    %scan3A_56 = arith.constant 32 : i32
    %scan3A_57 = arith.addi %scan3A, %scan3A_56 : i32
    %scan3A_58 = arith.constant 1 : i32
    scf.for %scan3A_139 = %scan3A to %scan3A_57 step %scan3A_58  : i32 {
      %mul3A_140 = arith.constant 4 : i32
      %mul3A_141 = arith.muli %scan3A_139, %mul3A_140 : i32
      %add3A_142 = arith.constant 0 : i32
      %add3A_143 = arith.addi %mul3A_141, %add3A_142 : i32
      %dma_wait3A_144 = arith.constant 0 : i32
      %dma_wait3A_145 = arith.constant 0 : i32
      %dma_wait3A_146 = arith.constant 0 : i32
      %dma_wait3A_147 = arith.constant 0 : i32
      %dma_wait3A_148 = tpu.memref_slice %arg6[%dma_wait3A_144, %dma_wait3A_146, %dma_wait3A_147] : memref<4x200x128xf32, #tpu.memory_space<vmem>> -> memref<1x200x128xf32, #tpu.memory_space<vmem>>
      %dma_wait3A_149 = tpu.memref_squeeze %dma_wait3A_148 : memref<1x200x128xf32, #tpu.memory_space<vmem>> -> memref<200x128xf32, #tpu.memory_space<vmem>>
      %dma_wait3A_150 = arith.constant 0 : i32
      %dma_wait3A_151 = tpu.memref_slice %arg5[%dma_wait3A_150] : memref<25600xi32, #tpu.memory_space<vmem>> -> memref<200xi32, #tpu.memory_space<vmem>>
      %dma_wait3A_152 = arith.constant 0 : i32
      %dma_wait3A_153 = arith.constant 0 : i32
      %dma_wait3A_154 = tpu.memref_slice %arg3[%dma_wait3A_152, %dma_wait3A_153] : memref<1000000x128xf32, #tpu.memory_space<hbm>> -> memref<1000000x128xf32, #tpu.memory_space<hbm>>
      %dma_wait3A_155 = tpu.memref_slice %arg7[%dma_wait3A_145] : memref<4x!tpu.dma_semaphore, #tpu.memory_space<semaphore_mem>> -> memref<1x!tpu.dma_semaphore, #tpu.memory_space<semaphore_mem>>
      %dma_wait3A_156 = tpu.memref_squeeze %dma_wait3A_155 : memref<1x!tpu.dma_semaphore, #tpu.memory_space<semaphore_mem>> -> memref<!tpu.dma_semaphore, #tpu.memory_space<semaphore_mem>>
      tpu.wait_indirect_dma semaphore(%dma_wait3A_156 : memref<!tpu.dma_semaphore, #tpu.memory_space<semaphore_mem>>) src(%dma_wait3A_154 : memref<1000000x128xf32, #tpu.memory_space<hbm>>) dst(%dma_wait3A_149 : memref<200x128xf32, #tpu.memory_space<vmem>>)
      %add3A_157 = arith.addi %mul3A_4, %add3A_143 : i32
      %dma_start3A_158 = arith.constant 0 : i32
      %dma_start3A_159 = arith.constant 0 : i32
      %dma_start3A_160 = arith.constant 0 : i32
      %dma_start3A_161 = arith.constant 0 : i32
      %dma_start3A_162 = tpu.memref_slice %arg6[%dma_start3A_158, %dma_start3A_160, %dma_start3A_161] : memref<4x200x128xf32, #tpu.memory_space<vmem>> -> memref<1x200x128xf32, #tpu.memory_space<vmem>>
      %dma_start3A_163 = tpu.memref_squeeze %dma_start3A_162 : memref<1x200x128xf32, #tpu.memory_space<vmem>> -> memref<200x128xf32, #tpu.memory_space<vmem>>
      %dma_start3A_164 = arith.constant 0 : i32
      %dma_start3A_165 = arith.constant 0 : i32
      %dma_start3A_166 = tpu.memref_slice %arg4[%add3A_157, %dma_start3A_164, %dma_start3A_165] : memref<4096x200x128xf32, #tpu.memory_space<hbm>> -> memref<1x200x128xf32, #tpu.memory_space<hbm>>
      %dma_start3A_167 = tpu.memref_squeeze %dma_start3A_166 : memref<1x200x128xf32, #tpu.memory_space<hbm>> -> memref<200x128xf32, #tpu.memory_space<hbm>>
      %dma_start3A_168 = tpu.memref_slice %arg8[%dma_start3A_159] : memref<4x!tpu.dma_semaphore, #tpu.memory_space<semaphore_mem>> -> memref<1x!tpu.dma_semaphore, #tpu.memory_space<semaphore_mem>>
      %dma_start3A_169 = tpu.memref_squeeze %dma_start3A_168 : memref<1x!tpu.dma_semaphore, #tpu.memory_space<semaphore_mem>> -> memref<!tpu.dma_semaphore, #tpu.memory_space<semaphore_mem>>
      %dma_start3A_170 = arith.constant 0 : i32
      %dma_start3A_171 = arith.constant 0 : i32
      %dma_start3A_172 = tpu.memref_slice %arg4[%add3A_157, %dma_start3A_170, %dma_start3A_171] : memref<4096x200x128xf32, #tpu.memory_space<hbm>> -> memref<1x200x128xf32, #tpu.memory_space<hbm>>
      %dma_start3A_173 = tpu.memref_squeeze %dma_start3A_172 : memref<1x200x128xf32, #tpu.memory_space<hbm>> -> memref<200x128xf32, #tpu.memory_space<hbm>>
      %dma_start3A_174 = arith.constant 0 : i32
      %dma_start3A_175 = arith.constant 0 : i32
      %dma_start3A_176 = tpu.memref_slice %arg6[%dma_start3A_158, %dma_start3A_174, %dma_start3A_175] : memref<4x200x128xf32, #tpu.memory_space<vmem>> -> memref<1x200x128xf32, #tpu.memory_space<vmem>>
      %dma_start3A_177 = tpu.memref_squeeze %dma_start3A_176 : memref<1x200x128xf32, #tpu.memory_space<vmem>> -> memref<200x128xf32, #tpu.memory_space<vmem>>
      tpu.enqueue_dma source(%dma_start3A_177 : memref<200x128xf32, #tpu.memory_space<vmem>>) target(%dma_start3A_173 : memref<200x128xf32, #tpu.memory_space<hbm>>) target_semaphore(%dma_start3A_169 : memref<!tpu.dma_semaphore, #tpu.memory_space<semaphore_mem>>)
      %add3A_178 = arith.constant 4 : i32
      %add3A_179 = arith.addi %add3A_143, %add3A_178 : i32
      %lt3A = arith.constant 128 : i32
      %lt3A_180 = arith.cmpi slt, %add3A_179, %lt3A : i32
      %convert_element_type3A = arith.extui %lt3A_180 : i1 to i32
      %cond3A = arith.constant 0 : i32
      %cond3A_181 = arith.cmpi ne, %convert_element_type3A, %cond3A : i32
      scf.if %cond3A_181 {
        %dma_wait3A_311 = arith.constant 0 : i32
        %dma_wait3A_312 = arith.constant 0 : i32
        %dma_wait3A_313 = arith.constant 0 : i32
        %dma_wait3A_314 = arith.constant 0 : i32
        %dma_wait3A_315 = tpu.memref_slice %arg6[%dma_wait3A_311, %dma_wait3A_313, %dma_wait3A_314] : memref<4x200x128xf32, #tpu.memory_space<vmem>> -> memref<1x200x128xf32, #tpu.memory_space<vmem>>
        %dma_wait3A_316 = tpu.memref_squeeze %dma_wait3A_315 : memref<1x200x128xf32, #tpu.memory_space<vmem>> -> memref<200x128xf32, #tpu.memory_space<vmem>>
        %dma_wait3A_317 = arith.constant 0 : i32
        %dma_wait3A_318 = arith.constant 0 : i32
        %dma_wait3A_319 = tpu.memref_slice %arg4[%mul3A_4, %dma_wait3A_317, %dma_wait3A_318] : memref<4096x200x128xf32, #tpu.memory_space<hbm>> -> memref<1x200x128xf32, #tpu.memory_space<hbm>>
        %dma_wait3A_320 = tpu.memref_squeeze %dma_wait3A_319 : memref<1x200x128xf32, #tpu.memory_space<hbm>> -> memref<200x128xf32, #tpu.memory_space<hbm>>
        %dma_wait3A_321 = tpu.memref_slice %arg8[%dma_wait3A_312] : memref<4x!tpu.dma_semaphore, #tpu.memory_space<semaphore_mem>> -> memref<1x!tpu.dma_semaphore, #tpu.memory_space<semaphore_mem>>
        %dma_wait3A_322 = tpu.memref_squeeze %dma_wait3A_321 : memref<1x!tpu.dma_semaphore, #tpu.memory_space<semaphore_mem>> -> memref<!tpu.dma_semaphore, #tpu.memory_space<semaphore_mem>>
        %dma_wait3A_323 = arith.constant 0 : i32
        %dma_wait3A_324 = arith.constant 0 : i32
        %dma_wait3A_325 = tpu.memref_slice %arg4[%mul3A_4, %dma_wait3A_323, %dma_wait3A_324] : memref<4096x200x128xf32, #tpu.memory_space<hbm>> -> memref<1x200x128xf32, #tpu.memory_space<hbm>>
        %dma_wait3A_326 = tpu.memref_squeeze %dma_wait3A_325 : memref<1x200x128xf32, #tpu.memory_space<hbm>> -> memref<200x128xf32, #tpu.memory_space<hbm>>
        %dma_wait3A_327 = arith.constant 0 : i32
        %dma_wait3A_328 = arith.constant 0 : i32
        %dma_wait3A_329 = tpu.memref_slice %arg6[%dma_wait3A_311, %dma_wait3A_327, %dma_wait3A_328] : memref<4x200x128xf32, #tpu.memory_space<vmem>> -> memref<1x200x128xf32, #tpu.memory_space<vmem>>
        %dma_wait3A_330 = tpu.memref_squeeze %dma_wait3A_329 : memref<1x200x128xf32, #tpu.memory_space<vmem>> -> memref<200x128xf32, #tpu.memory_space<vmem>>
        tpu.wait_dma2 semaphore(%dma_wait3A_322 : memref<!tpu.dma_semaphore, #tpu.memory_space<semaphore_mem>>) src(%dma_wait3A_330 : memref<200x128xf32, #tpu.memory_space<vmem>>) dst(%dma_wait3A_326 : memref<200x128xf32, #tpu.memory_space<hbm>>)
        %add3A_331 = arith.constant 4 : i32
        %add3A_332 = arith.addi %add3A_143, %add3A_331 : i32
        %mul3A_333 = arith.constant 200 : i32
        %mul3A_334 = arith.muli %add3A_332, %mul3A_333 : i32
        %dma_start3A_335 = arith.constant 0 : i32
        %dma_start3A_336 = arith.constant 0 : i32
        %dma_start3A_337 = arith.constant 0 : i32
        %dma_start3A_338 = arith.constant 0 : i32
        %dma_start3A_339 = tpu.memref_slice %arg6[%dma_start3A_335, %dma_start3A_337, %dma_start3A_338] : memref<4x200x128xf32, #tpu.memory_space<vmem>> -> memref<1x200x128xf32, #tpu.memory_space<vmem>>
        %dma_start3A_340 = tpu.memref_squeeze %dma_start3A_339 : memref<1x200x128xf32, #tpu.memory_space<vmem>> -> memref<200x128xf32, #tpu.memory_space<vmem>>
        %dma_start3A_341 = tpu.memref_slice %arg5[%mul3A_334] : memref<25600xi32, #tpu.memory_space<vmem>> -> memref<200xi32, #tpu.memory_space<vmem>>
        %dma_start3A_342 = arith.constant 0 : i32
        %dma_start3A_343 = arith.constant 0 : i32
        %dma_start3A_344 = tpu.memref_slice %arg3[%dma_start3A_342, %dma_start3A_343] : memref<1000000x128xf32, #tpu.memory_space<hbm>> -> memref<1000000x128xf32, #tpu.memory_space<hbm>>
        %dma_start3A_345 = tpu.memref_slice %arg7[%dma_start3A_336] : memref<4x!tpu.dma_semaphore, #tpu.memory_space<semaphore_mem>> -> memref<1x!tpu.dma_semaphore, #tpu.memory_space<semaphore_mem>>
        %dma_start3A_346 = tpu.memref_squeeze %dma_start3A_345 : memref<1x!tpu.dma_semaphore, #tpu.memory_space<semaphore_mem>> -> memref<!tpu.dma_semaphore, #tpu.memory_space<semaphore_mem>>
        tpu.enqueue_indirect_dma source(%dma_start3A_344 : memref<1000000x128xf32, #tpu.memory_space<hbm>>) target(%dma_start3A_340 : memref<200x128xf32, #tpu.memory_space<vmem>>) offsets(%dma_start3A_341 : memref<200xi32, #tpu.memory_space<vmem>>) semaphore(%dma_start3A_346 : memref<!tpu.dma_semaphore, #tpu.memory_space<semaphore_mem>>)
      } else {
      }
      %add3A_182 = arith.constant 1 : i32
      %add3A_183 = arith.addi %mul3A_141, %add3A_182 : i32
      %dma_wait3A_184 = arith.constant 1 : i32
      %dma_wait3A_185 = arith.constant 1 : i32
      %dma_wait3A_186 = arith.constant 0 : i32
      %dma_wait3A_187 = arith.constant 0 : i32
      %dma_wait3A_188 = tpu.memref_slice %arg6[%dma_wait3A_184, %dma_wait3A_186, %dma_wait3A_187] : memref<4x200x128xf32, #tpu.memory_space<vmem>> -> memref<1x200x128xf32, #tpu.memory_space<vmem>>
      %dma_wait3A_189 = tpu.memref_squeeze %dma_wait3A_188 : memref<1x200x128xf32, #tpu.memory_space<vmem>> -> memref<200x128xf32, #tpu.memory_space<vmem>>
      %dma_wait3A_190 = arith.constant 0 : i32
      %dma_wait3A_191 = tpu.memref_slice %arg5[%dma_wait3A_190] : memref<25600xi32, #tpu.memory_space<vmem>> -> memref<200xi32, #tpu.memory_space<vmem>>
      %dma_wait3A_192 = arith.constant 0 : i32
      %dma_wait3A_193 = arith.constant 0 : i32
      %dma_wait3A_194 = tpu.memref_slice %arg3[%dma_wait3A_192, %dma_wait3A_193] : memref<1000000x128xf32, #tpu.memory_space<hbm>> -> memref<1000000x128xf32, #tpu.memory_space<hbm>>
      %dma_wait3A_195 = tpu.memref_slice %arg7[%dma_wait3A_185] : memref<4x!tpu.dma_semaphore, #tpu.memory_space<semaphore_mem>> -> memref<1x!tpu.dma_semaphore, #tpu.memory_space<semaphore_mem>>
      %dma_wait3A_196 = tpu.memref_squeeze %dma_wait3A_195 : memref<1x!tpu.dma_semaphore, #tpu.memory_space<semaphore_mem>> -> memref<!tpu.dma_semaphore, #tpu.memory_space<semaphore_mem>>
      tpu.wait_indirect_dma semaphore(%dma_wait3A_196 : memref<!tpu.dma_semaphore, #tpu.memory_space<semaphore_mem>>) src(%dma_wait3A_194 : memref<1000000x128xf32, #tpu.memory_space<hbm>>) dst(%dma_wait3A_189 : memref<200x128xf32, #tpu.memory_space<vmem>>)
      %add3A_197 = arith.addi %mul3A_4, %add3A_183 : i32
      %dma_start3A_198 = arith.constant 1 : i32
      %dma_start3A_199 = arith.constant 1 : i32
      %dma_start3A_200 = arith.constant 0 : i32
      %dma_start3A_201 = arith.constant 0 : i32
      %dma_start3A_202 = tpu.memref_slice %arg6[%dma_start3A_198, %dma_start3A_200, %dma_start3A_201] : memref<4x200x128xf32, #tpu.memory_space<vmem>> -> memref<1x200x128xf32, #tpu.memory_space<vmem>>
      %dma_start3A_203 = tpu.memref_squeeze %dma_start3A_202 : memref<1x200x128xf32, #tpu.memory_space<vmem>> -> memref<200x128xf32, #tpu.memory_space<vmem>>
      %dma_start3A_204 = arith.constant 0 : i32
      %dma_start3A_205 = arith.constant 0 : i32
      %dma_start3A_206 = tpu.memref_slice %arg4[%add3A_197, %dma_start3A_204, %dma_start3A_205] : memref<4096x200x128xf32, #tpu.memory_space<hbm>> -> memref<1x200x128xf32, #tpu.memory_space<hbm>>
      %dma_start3A_207 = tpu.memref_squeeze %dma_start3A_206 : memref<1x200x128xf32, #tpu.memory_space<hbm>> -> memref<200x128xf32, #tpu.memory_space<hbm>>
      %dma_start3A_208 = tpu.memref_slice %arg8[%dma_start3A_199] : memref<4x!tpu.dma_semaphore, #tpu.memory_space<semaphore_mem>> -> memref<1x!tpu.dma_semaphore, #tpu.memory_space<semaphore_mem>>
      %dma_start3A_209 = tpu.memref_squeeze %dma_start3A_208 : memref<1x!tpu.dma_semaphore, #tpu.memory_space<semaphore_mem>> -> memref<!tpu.dma_semaphore, #tpu.memory_space<semaphore_mem>>
      %dma_start3A_210 = arith.constant 0 : i32
      %dma_start3A_211 = arith.constant 0 : i32
      %dma_start3A_212 = tpu.memref_slice %arg4[%add3A_197, %dma_start3A_210, %dma_start3A_211] : memref<4096x200x128xf32, #tpu.memory_space<hbm>> -> memref<1x200x128xf32, #tpu.memory_space<hbm>>
      %dma_start3A_213 = tpu.memref_squeeze %dma_start3A_212 : memref<1x200x128xf32, #tpu.memory_space<hbm>> -> memref<200x128xf32, #tpu.memory_space<hbm>>
      %dma_start3A_214 = arith.constant 0 : i32
      %dma_start3A_215 = arith.constant 0 : i32
      %dma_start3A_216 = tpu.memref_slice %arg6[%dma_start3A_198, %dma_start3A_214, %dma_start3A_215] : memref<4x200x128xf32, #tpu.memory_space<vmem>> -> memref<1x200x128xf32, #tpu.memory_space<vmem>>
      %dma_start3A_217 = tpu.memref_squeeze %dma_start3A_216 : memref<1x200x128xf32, #tpu.memory_space<vmem>> -> memref<200x128xf32, #tpu.memory_space<vmem>>
      tpu.enqueue_dma source(%dma_start3A_217 : memref<200x128xf32, #tpu.memory_space<vmem>>) target(%dma_start3A_213 : memref<200x128xf32, #tpu.memory_space<hbm>>) target_semaphore(%dma_start3A_209 : memref<!tpu.dma_semaphore, #tpu.memory_space<semaphore_mem>>)
      %add3A_218 = arith.constant 4 : i32
      %add3A_219 = arith.addi %add3A_183, %add3A_218 : i32
      %lt3A_220 = arith.constant 128 : i32
      %lt3A_221 = arith.cmpi slt, %add3A_219, %lt3A_220 : i32
      %convert_element_type3A_222 = arith.extui %lt3A_221 : i1 to i32
      %cond3A_223 = arith.constant 0 : i32
      %cond3A_224 = arith.cmpi ne, %convert_element_type3A_222, %cond3A_223 : i32
      scf.if %cond3A_224 {
        %dma_wait3A_311 = arith.constant 1 : i32
        %dma_wait3A_312 = arith.constant 1 : i32
        %dma_wait3A_313 = arith.constant 0 : i32
        %dma_wait3A_314 = arith.constant 0 : i32
        %dma_wait3A_315 = tpu.memref_slice %arg6[%dma_wait3A_311, %dma_wait3A_313, %dma_wait3A_314] : memref<4x200x128xf32, #tpu.memory_space<vmem>> -> memref<1x200x128xf32, #tpu.memory_space<vmem>>
        %dma_wait3A_316 = tpu.memref_squeeze %dma_wait3A_315 : memref<1x200x128xf32, #tpu.memory_space<vmem>> -> memref<200x128xf32, #tpu.memory_space<vmem>>
        %dma_wait3A_317 = arith.constant 0 : i32
        %dma_wait3A_318 = arith.constant 0 : i32
        %dma_wait3A_319 = tpu.memref_slice %arg4[%mul3A_4, %dma_wait3A_317, %dma_wait3A_318] : memref<4096x200x128xf32, #tpu.memory_space<hbm>> -> memref<1x200x128xf32, #tpu.memory_space<hbm>>
        %dma_wait3A_320 = tpu.memref_squeeze %dma_wait3A_319 : memref<1x200x128xf32, #tpu.memory_space<hbm>> -> memref<200x128xf32, #tpu.memory_space<hbm>>
        %dma_wait3A_321 = tpu.memref_slice %arg8[%dma_wait3A_312] : memref<4x!tpu.dma_semaphore, #tpu.memory_space<semaphore_mem>> -> memref<1x!tpu.dma_semaphore, #tpu.memory_space<semaphore_mem>>
        %dma_wait3A_322 = tpu.memref_squeeze %dma_wait3A_321 : memref<1x!tpu.dma_semaphore, #tpu.memory_space<semaphore_mem>> -> memref<!tpu.dma_semaphore, #tpu.memory_space<semaphore_mem>>
        %dma_wait3A_323 = arith.constant 0 : i32
        %dma_wait3A_324 = arith.constant 0 : i32
        %dma_wait3A_325 = tpu.memref_slice %arg4[%mul3A_4, %dma_wait3A_323, %dma_wait3A_324] : memref<4096x200x128xf32, #tpu.memory_space<hbm>> -> memref<1x200x128xf32, #tpu.memory_space<hbm>>
        %dma_wait3A_326 = tpu.memref_squeeze %dma_wait3A_325 : memref<1x200x128xf32, #tpu.memory_space<hbm>> -> memref<200x128xf32, #tpu.memory_space<hbm>>
        %dma_wait3A_327 = arith.constant 0 : i32
        %dma_wait3A_328 = arith.constant 0 : i32
        %dma_wait3A_329 = tpu.memref_slice %arg6[%dma_wait3A_311, %dma_wait3A_327, %dma_wait3A_328] : memref<4x200x128xf32, #tpu.memory_space<vmem>> -> memref<1x200x128xf32, #tpu.memory_space<vmem>>
        %dma_wait3A_330 = tpu.memref_squeeze %dma_wait3A_329 : memref<1x200x128xf32, #tpu.memory_space<vmem>> -> memref<200x128xf32, #tpu.memory_space<vmem>>
        tpu.wait_dma2 semaphore(%dma_wait3A_322 : memref<!tpu.dma_semaphore, #tpu.memory_space<semaphore_mem>>) src(%dma_wait3A_330 : memref<200x128xf32, #tpu.memory_space<vmem>>) dst(%dma_wait3A_326 : memref<200x128xf32, #tpu.memory_space<hbm>>)
        %add3A_331 = arith.constant 4 : i32
        %add3A_332 = arith.addi %add3A_183, %add3A_331 : i32
        %mul3A_333 = arith.constant 200 : i32
        %mul3A_334 = arith.muli %add3A_332, %mul3A_333 : i32
        %dma_start3A_335 = arith.constant 1 : i32
        %dma_start3A_336 = arith.constant 1 : i32
        %dma_start3A_337 = arith.constant 0 : i32
        %dma_start3A_338 = arith.constant 0 : i32
        %dma_start3A_339 = tpu.memref_slice %arg6[%dma_start3A_335, %dma_start3A_337, %dma_start3A_338] : memref<4x200x128xf32, #tpu.memory_space<vmem>> -> memref<1x200x128xf32, #tpu.memory_space<vmem>>
        %dma_start3A_340 = tpu.memref_squeeze %dma_start3A_339 : memref<1x200x128xf32, #tpu.memory_space<vmem>> -> memref<200x128xf32, #tpu.memory_space<vmem>>
        %dma_start3A_341 = tpu.memref_slice %arg5[%mul3A_334] : memref<25600xi32, #tpu.memory_space<vmem>> -> memref<200xi32, #tpu.memory_space<vmem>>
        %dma_start3A_342 = arith.constant 0 : i32
        %dma_start3A_343 = arith.constant 0 : i32
        %dma_start3A_344 = tpu.memref_slice %arg3[%dma_start3A_342, %dma_start3A_343] : memref<1000000x128xf32, #tpu.memory_space<hbm>> -> memref<1000000x128xf32, #tpu.memory_space<hbm>>
        %dma_start3A_345 = tpu.memref_slice %arg7[%dma_start3A_336] : memref<4x!tpu.dma_semaphore, #tpu.memory_space<semaphore_mem>> -> memref<1x!tpu.dma_semaphore, #tpu.memory_space<semaphore_mem>>
        %dma_start3A_346 = tpu.memref_squeeze %dma_start3A_345 : memref<1x!tpu.dma_semaphore, #tpu.memory_space<semaphore_mem>> -> memref<!tpu.dma_semaphore, #tpu.memory_space<semaphore_mem>>
        tpu.enqueue_indirect_dma source(%dma_start3A_344 : memref<1000000x128xf32, #tpu.memory_space<hbm>>) target(%dma_start3A_340 : memref<200x128xf32, #tpu.memory_space<vmem>>) offsets(%dma_start3A_341 : memref<200xi32, #tpu.memory_space<vmem>>) semaphore(%dma_start3A_346 : memref<!tpu.dma_semaphore, #tpu.memory_space<semaphore_mem>>)
      } else {
      }
      %add3A_225 = arith.constant 2 : i32
      %add3A_226 = arith.addi %mul3A_141, %add3A_225 : i32
      %dma_wait3A_227 = arith.constant 2 : i32
      %dma_wait3A_228 = arith.constant 2 : i32
      %dma_wait3A_229 = arith.constant 0 : i32
      %dma_wait3A_230 = arith.constant 0 : i32
      %dma_wait3A_231 = tpu.memref_slice %arg6[%dma_wait3A_227, %dma_wait3A_229, %dma_wait3A_230] : memref<4x200x128xf32, #tpu.memory_space<vmem>> -> memref<1x200x128xf32, #tpu.memory_space<vmem>>
      %dma_wait3A_232 = tpu.memref_squeeze %dma_wait3A_231 : memref<1x200x128xf32, #tpu.memory_space<vmem>> -> memref<200x128xf32, #tpu.memory_space<vmem>>
      %dma_wait3A_233 = arith.constant 0 : i32
      %dma_wait3A_234 = tpu.memref_slice %arg5[%dma_wait3A_233] : memref<25600xi32, #tpu.memory_space<vmem>> -> memref<200xi32, #tpu.memory_space<vmem>>
      %dma_wait3A_235 = arith.constant 0 : i32
      %dma_wait3A_236 = arith.constant 0 : i32
      %dma_wait3A_237 = tpu.memref_slice %arg3[%dma_wait3A_235, %dma_wait3A_236] : memref<1000000x128xf32, #tpu.memory_space<hbm>> -> memref<1000000x128xf32, #tpu.memory_space<hbm>>
      %dma_wait3A_238 = tpu.memref_slice %arg7[%dma_wait3A_228] : memref<4x!tpu.dma_semaphore, #tpu.memory_space<semaphore_mem>> -> memref<1x!tpu.dma_semaphore, #tpu.memory_space<semaphore_mem>>
      %dma_wait3A_239 = tpu.memref_squeeze %dma_wait3A_238 : memref<1x!tpu.dma_semaphore, #tpu.memory_space<semaphore_mem>> -> memref<!tpu.dma_semaphore, #tpu.memory_space<semaphore_mem>>
      tpu.wait_indirect_dma semaphore(%dma_wait3A_239 : memref<!tpu.dma_semaphore, #tpu.memory_space<semaphore_mem>>) src(%dma_wait3A_237 : memref<1000000x128xf32, #tpu.memory_space<hbm>>) dst(%dma_wait3A_232 : memref<200x128xf32, #tpu.memory_space<vmem>>)
      %add3A_240 = arith.addi %mul3A_4, %add3A_226 : i32
      %dma_start3A_241 = arith.constant 2 : i32
      %dma_start3A_242 = arith.constant 2 : i32
      %dma_start3A_243 = arith.constant 0 : i32
      %dma_start3A_244 = arith.constant 0 : i32
      %dma_start3A_245 = tpu.memref_slice %arg6[%dma_start3A_241, %dma_start3A_243, %dma_start3A_244] : memref<4x200x128xf32, #tpu.memory_space<vmem>> -> memref<1x200x128xf32, #tpu.memory_space<vmem>>
      %dma_start3A_246 = tpu.memref_squeeze %dma_start3A_245 : memref<1x200x128xf32, #tpu.memory_space<vmem>> -> memref<200x128xf32, #tpu.memory_space<vmem>>
      %dma_start3A_247 = arith.constant 0 : i32
      %dma_start3A_248 = arith.constant 0 : i32
      %dma_start3A_249 = tpu.memref_slice %arg4[%add3A_240, %dma_start3A_247, %dma_start3A_248] : memref<4096x200x128xf32, #tpu.memory_space<hbm>> -> memref<1x200x128xf32, #tpu.memory_space<hbm>>
      %dma_start3A_250 = tpu.memref_squeeze %dma_start3A_249 : memref<1x200x128xf32, #tpu.memory_space<hbm>> -> memref<200x128xf32, #tpu.memory_space<hbm>>
      %dma_start3A_251 = tpu.memref_slice %arg8[%dma_start3A_242] : memref<4x!tpu.dma_semaphore, #tpu.memory_space<semaphore_mem>> -> memref<1x!tpu.dma_semaphore, #tpu.memory_space<semaphore_mem>>
      %dma_start3A_252 = tpu.memref_squeeze %dma_start3A_251 : memref<1x!tpu.dma_semaphore, #tpu.memory_space<semaphore_mem>> -> memref<!tpu.dma_semaphore, #tpu.memory_space<semaphore_mem>>
      %dma_start3A_253 = arith.constant 0 : i32
      %dma_start3A_254 = arith.constant 0 : i32
      %dma_start3A_255 = tpu.memref_slice %arg4[%add3A_240, %dma_start3A_253, %dma_start3A_254] : memref<4096x200x128xf32, #tpu.memory_space<hbm>> -> memref<1x200x128xf32, #tpu.memory_space<hbm>>
      %dma_start3A_256 = tpu.memref_squeeze %dma_start3A_255 : memref<1x200x128xf32, #tpu.memory_space<hbm>> -> memref<200x128xf32, #tpu.memory_space<hbm>>
      %dma_start3A_257 = arith.constant 0 : i32
      %dma_start3A_258 = arith.constant 0 : i32
      %dma_start3A_259 = tpu.memref_slice %arg6[%dma_start3A_241, %dma_start3A_257, %dma_start3A_258] : memref<4x200x128xf32, #tpu.memory_space<vmem>> -> memref<1x200x128xf32, #tpu.memory_space<vmem>>
      %dma_start3A_260 = tpu.memref_squeeze %dma_start3A_259 : memref<1x200x128xf32, #tpu.memory_space<vmem>> -> memref<200x128xf32, #tpu.memory_space<vmem>>
      tpu.enqueue_dma source(%dma_start3A_260 : memref<200x128xf32, #tpu.memory_space<vmem>>) target(%dma_start3A_256 : memref<200x128xf32, #tpu.memory_space<hbm>>) target_semaphore(%dma_start3A_252 : memref<!tpu.dma_semaphore, #tpu.memory_space<semaphore_mem>>)
      %add3A_261 = arith.constant 4 : i32
      %add3A_262 = arith.addi %add3A_226, %add3A_261 : i32
      %lt3A_263 = arith.constant 128 : i32
      %lt3A_264 = arith.cmpi slt, %add3A_262, %lt3A_263 : i32
      %convert_element_type3A_265 = arith.extui %lt3A_264 : i1 to i32
      %cond3A_266 = arith.constant 0 : i32
      %cond3A_267 = arith.cmpi ne, %convert_element_type3A_265, %cond3A_266 : i32
      scf.if %cond3A_267 {
        %dma_wait3A_311 = arith.constant 2 : i32
        %dma_wait3A_312 = arith.constant 2 : i32
        %dma_wait3A_313 = arith.constant 0 : i32
        %dma_wait3A_314 = arith.constant 0 : i32
        %dma_wait3A_315 = tpu.memref_slice %arg6[%dma_wait3A_311, %dma_wait3A_313, %dma_wait3A_314] : memref<4x200x128xf32, #tpu.memory_space<vmem>> -> memref<1x200x128xf32, #tpu.memory_space<vmem>>
        %dma_wait3A_316 = tpu.memref_squeeze %dma_wait3A_315 : memref<1x200x128xf32, #tpu.memory_space<vmem>> -> memref<200x128xf32, #tpu.memory_space<vmem>>
        %dma_wait3A_317 = arith.constant 0 : i32
        %dma_wait3A_318 = arith.constant 0 : i32
        %dma_wait3A_319 = tpu.memref_slice %arg4[%mul3A_4, %dma_wait3A_317, %dma_wait3A_318] : memref<4096x200x128xf32, #tpu.memory_space<hbm>> -> memref<1x200x128xf32, #tpu.memory_space<hbm>>
        %dma_wait3A_320 = tpu.memref_squeeze %dma_wait3A_319 : memref<1x200x128xf32, #tpu.memory_space<hbm>> -> memref<200x128xf32, #tpu.memory_space<hbm>>
        %dma_wait3A_321 = tpu.memref_slice %arg8[%dma_wait3A_312] : memref<4x!tpu.dma_semaphore, #tpu.memory_space<semaphore_mem>> -> memref<1x!tpu.dma_semaphore, #tpu.memory_space<semaphore_mem>>
        %dma_wait3A_322 = tpu.memref_squeeze %dma_wait3A_321 : memref<1x!tpu.dma_semaphore, #tpu.memory_space<semaphore_mem>> -> memref<!tpu.dma_semaphore, #tpu.memory_space<semaphore_mem>>
        %dma_wait3A_323 = arith.constant 0 : i32
        %dma_wait3A_324 = arith.constant 0 : i32
        %dma_wait3A_325 = tpu.memref_slice %arg4[%mul3A_4, %dma_wait3A_323, %dma_wait3A_324] : memref<4096x200x128xf32, #tpu.memory_space<hbm>> -> memref<1x200x128xf32, #tpu.memory_space<hbm>>
        %dma_wait3A_326 = tpu.memref_squeeze %dma_wait3A_325 : memref<1x200x128xf32, #tpu.memory_space<hbm>> -> memref<200x128xf32, #tpu.memory_space<hbm>>
        %dma_wait3A_327 = arith.constant 0 : i32
        %dma_wait3A_328 = arith.constant 0 : i32
        %dma_wait3A_329 = tpu.memref_slice %arg6[%dma_wait3A_311, %dma_wait3A_327, %dma_wait3A_328] : memref<4x200x128xf32, #tpu.memory_space<vmem>> -> memref<1x200x128xf32, #tpu.memory_space<vmem>>
        %dma_wait3A_330 = tpu.memref_squeeze %dma_wait3A_329 : memref<1x200x128xf32, #tpu.memory_space<vmem>> -> memref<200x128xf32, #tpu.memory_space<vmem>>
        tpu.wait_dma2 semaphore(%dma_wait3A_322 : memref<!tpu.dma_semaphore, #tpu.memory_space<semaphore_mem>>) src(%dma_wait3A_330 : memref<200x128xf32, #tpu.memory_space<vmem>>) dst(%dma_wait3A_326 : memref<200x128xf32, #tpu.memory_space<hbm>>)
        %add3A_331 = arith.constant 4 : i32
        %add3A_332 = arith.addi %add3A_226, %add3A_331 : i32
        %mul3A_333 = arith.constant 200 : i32
        %mul3A_334 = arith.muli %add3A_332, %mul3A_333 : i32
        %dma_start3A_335 = arith.constant 2 : i32
        %dma_start3A_336 = arith.constant 2 : i32
        %dma_start3A_337 = arith.constant 0 : i32
        %dma_start3A_338 = arith.constant 0 : i32
        %dma_start3A_339 = tpu.memref_slice %arg6[%dma_start3A_335, %dma_start3A_337, %dma_start3A_338] : memref<4x200x128xf32, #tpu.memory_space<vmem>> -> memref<1x200x128xf32, #tpu.memory_space<vmem>>
        %dma_start3A_340 = tpu.memref_squeeze %dma_start3A_339 : memref<1x200x128xf32, #tpu.memory_space<vmem>> -> memref<200x128xf32, #tpu.memory_space<vmem>>
        %dma_start3A_341 = tpu.memref_slice %arg5[%mul3A_334] : memref<25600xi32, #tpu.memory_space<vmem>> -> memref<200xi32, #tpu.memory_space<vmem>>
        %dma_start3A_342 = arith.constant 0 : i32
        %dma_start3A_343 = arith.constant 0 : i32
        %dma_start3A_344 = tpu.memref_slice %arg3[%dma_start3A_342, %dma_start3A_343] : memref<1000000x128xf32, #tpu.memory_space<hbm>> -> memref<1000000x128xf32, #tpu.memory_space<hbm>>
        %dma_start3A_345 = tpu.memref_slice %arg7[%dma_start3A_336] : memref<4x!tpu.dma_semaphore, #tpu.memory_space<semaphore_mem>> -> memref<1x!tpu.dma_semaphore, #tpu.memory_space<semaphore_mem>>
        %dma_start3A_346 = tpu.memref_squeeze %dma_start3A_345 : memref<1x!tpu.dma_semaphore, #tpu.memory_space<semaphore_mem>> -> memref<!tpu.dma_semaphore, #tpu.memory_space<semaphore_mem>>
        tpu.enqueue_indirect_dma source(%dma_start3A_344 : memref<1000000x128xf32, #tpu.memory_space<hbm>>) target(%dma_start3A_340 : memref<200x128xf32, #tpu.memory_space<vmem>>) offsets(%dma_start3A_341 : memref<200xi32, #tpu.memory_space<vmem>>) semaphore(%dma_start3A_346 : memref<!tpu.dma_semaphore, #tpu.memory_space<semaphore_mem>>)
      } else {
      }
      %add3A_268 = arith.constant 3 : i32
      %add3A_269 = arith.addi %mul3A_141, %add3A_268 : i32
      %dma_wait3A_270 = arith.constant 3 : i32
      %dma_wait3A_271 = arith.constant 3 : i32
      %dma_wait3A_272 = arith.constant 0 : i32
      %dma_wait3A_273 = arith.constant 0 : i32
      %dma_wait3A_274 = tpu.memref_slice %arg6[%dma_wait3A_270, %dma_wait3A_272, %dma_wait3A_273] : memref<4x200x128xf32, #tpu.memory_space<vmem>> -> memref<1x200x128xf32, #tpu.memory_space<vmem>>
      %dma_wait3A_275 = tpu.memref_squeeze %dma_wait3A_274 : memref<1x200x128xf32, #tpu.memory_space<vmem>> -> memref<200x128xf32, #tpu.memory_space<vmem>>
      %dma_wait3A_276 = arith.constant 0 : i32
      %dma_wait3A_277 = tpu.memref_slice %arg5[%dma_wait3A_276] : memref<25600xi32, #tpu.memory_space<vmem>> -> memref<200xi32, #tpu.memory_space<vmem>>
      %dma_wait3A_278 = arith.constant 0 : i32
      %dma_wait3A_279 = arith.constant 0 : i32
      %dma_wait3A_280 = tpu.memref_slice %arg3[%dma_wait3A_278, %dma_wait3A_279] : memref<1000000x128xf32, #tpu.memory_space<hbm>> -> memref<1000000x128xf32, #tpu.memory_space<hbm>>
      %dma_wait3A_281 = tpu.memref_slice %arg7[%dma_wait3A_271] : memref<4x!tpu.dma_semaphore, #tpu.memory_space<semaphore_mem>> -> memref<1x!tpu.dma_semaphore, #tpu.memory_space<semaphore_mem>>
      %dma_wait3A_282 = tpu.memref_squeeze %dma_wait3A_281 : memref<1x!tpu.dma_semaphore, #tpu.memory_space<semaphore_mem>> -> memref<!tpu.dma_semaphore, #tpu.memory_space<semaphore_mem>>
      tpu.wait_indirect_dma semaphore(%dma_wait3A_282 : memref<!tpu.dma_semaphore, #tpu.memory_space<semaphore_mem>>) src(%dma_wait3A_280 : memref<1000000x128xf32, #tpu.memory_space<hbm>>) dst(%dma_wait3A_275 : memref<200x128xf32, #tpu.memory_space<vmem>>)
      %add3A_283 = arith.addi %mul3A_4, %add3A_269 : i32
      %dma_start3A_284 = arith.constant 3 : i32
      %dma_start3A_285 = arith.constant 3 : i32
      %dma_start3A_286 = arith.constant 0 : i32
      %dma_start3A_287 = arith.constant 0 : i32
      %dma_start3A_288 = tpu.memref_slice %arg6[%dma_start3A_284, %dma_start3A_286, %dma_start3A_287] : memref<4x200x128xf32, #tpu.memory_space<vmem>> -> memref<1x200x128xf32, #tpu.memory_space<vmem>>
      %dma_start3A_289 = tpu.memref_squeeze %dma_start3A_288 : memref<1x200x128xf32, #tpu.memory_space<vmem>> -> memref<200x128xf32, #tpu.memory_space<vmem>>
      %dma_start3A_290 = arith.constant 0 : i32
      %dma_start3A_291 = arith.constant 0 : i32
      %dma_start3A_292 = tpu.memref_slice %arg4[%add3A_283, %dma_start3A_290, %dma_start3A_291] : memref<4096x200x128xf32, #tpu.memory_space<hbm>> -> memref<1x200x128xf32, #tpu.memory_space<hbm>>
      %dma_start3A_293 = tpu.memref_squeeze %dma_start3A_292 : memref<1x200x128xf32, #tpu.memory_space<hbm>> -> memref<200x128xf32, #tpu.memory_space<hbm>>
      %dma_start3A_294 = tpu.memref_slice %arg8[%dma_start3A_285] : memref<4x!tpu.dma_semaphore, #tpu.memory_space<semaphore_mem>> -> memref<1x!tpu.dma_semaphore, #tpu.memory_space<semaphore_mem>>
      %dma_start3A_295 = tpu.memref_squeeze %dma_start3A_294 : memref<1x!tpu.dma_semaphore, #tpu.memory_space<semaphore_mem>> -> memref<!tpu.dma_semaphore, #tpu.memory_space<semaphore_mem>>
      %dma_start3A_296 = arith.constant 0 : i32
      %dma_start3A_297 = arith.constant 0 : i32
      %dma_start3A_298 = tpu.memref_slice %arg4[%add3A_283, %dma_start3A_296, %dma_start3A_297] : memref<4096x200x128xf32, #tpu.memory_space<hbm>> -> memref<1x200x128xf32, #tpu.memory_space<hbm>>
      %dma_start3A_299 = tpu.memref_squeeze %dma_start3A_298 : memref<1x200x128xf32, #tpu.memory_space<hbm>> -> memref<200x128xf32, #tpu.memory_space<hbm>>
      %dma_start3A_300 = arith.constant 0 : i32
      %dma_start3A_301 = arith.constant 0 : i32
      %dma_start3A_302 = tpu.memref_slice %arg6[%dma_start3A_284, %dma_start3A_300, %dma_start3A_301] : memref<4x200x128xf32, #tpu.memory_space<vmem>> -> memref<1x200x128xf32, #tpu.memory_space<vmem>>
      %dma_start3A_303 = tpu.memref_squeeze %dma_start3A_302 : memref<1x200x128xf32, #tpu.memory_space<vmem>> -> memref<200x128xf32, #tpu.memory_space<vmem>>
      tpu.enqueue_dma source(%dma_start3A_303 : memref<200x128xf32, #tpu.memory_space<vmem>>) target(%dma_start3A_299 : memref<200x128xf32, #tpu.memory_space<hbm>>) target_semaphore(%dma_start3A_295 : memref<!tpu.dma_semaphore, #tpu.memory_space<semaphore_mem>>)
      %add3A_304 = arith.constant 4 : i32
      %add3A_305 = arith.addi %add3A_269, %add3A_304 : i32
      %lt3A_306 = arith.constant 128 : i32
      %lt3A_307 = arith.cmpi slt, %add3A_305, %lt3A_306 : i32
      %convert_element_type3A_308 = arith.extui %lt3A_307 : i1 to i32
      %cond3A_309 = arith.constant 0 : i32
      %cond3A_310 = arith.cmpi ne, %convert_element_type3A_308, %cond3A_309 : i32
      scf.if %cond3A_310 {
        %dma_wait3A_311 = arith.constant 3 : i32
        %dma_wait3A_312 = arith.constant 3 : i32
        %dma_wait3A_313 = arith.constant 0 : i32
        %dma_wait3A_314 = arith.constant 0 : i32
        %dma_wait3A_315 = tpu.memref_slice %arg6[%dma_wait3A_311, %dma_wait3A_313, %dma_wait3A_314] : memref<4x200x128xf32, #tpu.memory_space<vmem>> -> memref<1x200x128xf32, #tpu.memory_space<vmem>>
        %dma_wait3A_316 = tpu.memref_squeeze %dma_wait3A_315 : memref<1x200x128xf32, #tpu.memory_space<vmem>> -> memref<200x128xf32, #tpu.memory_space<vmem>>
        %dma_wait3A_317 = arith.constant 0 : i32
        %dma_wait3A_318 = arith.constant 0 : i32
        %dma_wait3A_319 = tpu.memref_slice %arg4[%mul3A_4, %dma_wait3A_317, %dma_wait3A_318] : memref<4096x200x128xf32, #tpu.memory_space<hbm>> -> memref<1x200x128xf32, #tpu.memory_space<hbm>>
        %dma_wait3A_320 = tpu.memref_squeeze %dma_wait3A_319 : memref<1x200x128xf32, #tpu.memory_space<hbm>> -> memref<200x128xf32, #tpu.memory_space<hbm>>
        %dma_wait3A_321 = tpu.memref_slice %arg8[%dma_wait3A_312] : memref<4x!tpu.dma_semaphore, #tpu.memory_space<semaphore_mem>> -> memref<1x!tpu.dma_semaphore, #tpu.memory_space<semaphore_mem>>
        %dma_wait3A_322 = tpu.memref_squeeze %dma_wait3A_321 : memref<1x!tpu.dma_semaphore, #tpu.memory_space<semaphore_mem>> -> memref<!tpu.dma_semaphore, #tpu.memory_space<semaphore_mem>>
        %dma_wait3A_323 = arith.constant 0 : i32
        %dma_wait3A_324 = arith.constant 0 : i32
        %dma_wait3A_325 = tpu.memref_slice %arg4[%mul3A_4, %dma_wait3A_323, %dma_wait3A_324] : memref<4096x200x128xf32, #tpu.memory_space<hbm>> -> memref<1x200x128xf32, #tpu.memory_space<hbm>>
        %dma_wait3A_326 = tpu.memref_squeeze %dma_wait3A_325 : memref<1x200x128xf32, #tpu.memory_space<hbm>> -> memref<200x128xf32, #tpu.memory_space<hbm>>
        %dma_wait3A_327 = arith.constant 0 : i32
        %dma_wait3A_328 = arith.constant 0 : i32
        %dma_wait3A_329 = tpu.memref_slice %arg6[%dma_wait3A_311, %dma_wait3A_327, %dma_wait3A_328] : memref<4x200x128xf32, #tpu.memory_space<vmem>> -> memref<1x200x128xf32, #tpu.memory_space<vmem>>
        %dma_wait3A_330 = tpu.memref_squeeze %dma_wait3A_329 : memref<1x200x128xf32, #tpu.memory_space<vmem>> -> memref<200x128xf32, #tpu.memory_space<vmem>>
        tpu.wait_dma2 semaphore(%dma_wait3A_322 : memref<!tpu.dma_semaphore, #tpu.memory_space<semaphore_mem>>) src(%dma_wait3A_330 : memref<200x128xf32, #tpu.memory_space<vmem>>) dst(%dma_wait3A_326 : memref<200x128xf32, #tpu.memory_space<hbm>>)
        %add3A_331 = arith.constant 4 : i32
        %add3A_332 = arith.addi %add3A_269, %add3A_331 : i32
        %mul3A_333 = arith.constant 200 : i32
        %mul3A_334 = arith.muli %add3A_332, %mul3A_333 : i32
        %dma_start3A_335 = arith.constant 3 : i32
        %dma_start3A_336 = arith.constant 3 : i32
        %dma_start3A_337 = arith.constant 0 : i32
        %dma_start3A_338 = arith.constant 0 : i32
        %dma_start3A_339 = tpu.memref_slice %arg6[%dma_start3A_335, %dma_start3A_337, %dma_start3A_338] : memref<4x200x128xf32, #tpu.memory_space<vmem>> -> memref<1x200x128xf32, #tpu.memory_space<vmem>>
        %dma_start3A_340 = tpu.memref_squeeze %dma_start3A_339 : memref<1x200x128xf32, #tpu.memory_space<vmem>> -> memref<200x128xf32, #tpu.memory_space<vmem>>
        %dma_start3A_341 = tpu.memref_slice %arg5[%mul3A_334] : memref<25600xi32, #tpu.memory_space<vmem>> -> memref<200xi32, #tpu.memory_space<vmem>>
        %dma_start3A_342 = arith.constant 0 : i32
        %dma_start3A_343 = arith.constant 0 : i32
        %dma_start3A_344 = tpu.memref_slice %arg3[%dma_start3A_342, %dma_start3A_343] : memref<1000000x128xf32, #tpu.memory_space<hbm>> -> memref<1000000x128xf32, #tpu.memory_space<hbm>>
        %dma_start3A_345 = tpu.memref_slice %arg7[%dma_start3A_336] : memref<4x!tpu.dma_semaphore, #tpu.memory_space<semaphore_mem>> -> memref<1x!tpu.dma_semaphore, #tpu.memory_space<semaphore_mem>>
        %dma_start3A_346 = tpu.memref_squeeze %dma_start3A_345 : memref<1x!tpu.dma_semaphore, #tpu.memory_space<semaphore_mem>> -> memref<!tpu.dma_semaphore, #tpu.memory_space<semaphore_mem>>
        tpu.enqueue_indirect_dma source(%dma_start3A_344 : memref<1000000x128xf32, #tpu.memory_space<hbm>>) target(%dma_start3A_340 : memref<200x128xf32, #tpu.memory_space<vmem>>) offsets(%dma_start3A_341 : memref<200xi32, #tpu.memory_space<vmem>>) semaphore(%dma_start3A_346 : memref<!tpu.dma_semaphore, #tpu.memory_space<semaphore_mem>>)
      } else {
      }
    }
    %scan3A_59 = arith.constant 32 : i32
    %dma_wait3A = arith.constant 0 : i32
    %dma_wait3A_60 = arith.constant 0 : i32
    %dma_wait3A_61 = arith.constant 0 : i32
    %dma_wait3A_62 = arith.constant 0 : i32
    %dma_wait3A_63 = tpu.memref_slice %arg6[%dma_wait3A, %dma_wait3A_61, %dma_wait3A_62] : memref<4x200x128xf32, #tpu.memory_space<vmem>> -> memref<1x200x128xf32, #tpu.memory_space<vmem>>
    %dma_wait3A_64 = tpu.memref_squeeze %dma_wait3A_63 : memref<1x200x128xf32, #tpu.memory_space<vmem>> -> memref<200x128xf32, #tpu.memory_space<vmem>>
    %dma_wait3A_65 = arith.constant 0 : i32
    %dma_wait3A_66 = arith.constant 0 : i32
    %dma_wait3A_67 = tpu.memref_slice %arg4[%mul3A_4, %dma_wait3A_65, %dma_wait3A_66] : memref<4096x200x128xf32, #tpu.memory_space<hbm>> -> memref<1x200x128xf32, #tpu.memory_space<hbm>>
    %dma_wait3A_68 = tpu.memref_squeeze %dma_wait3A_67 : memref<1x200x128xf32, #tpu.memory_space<hbm>> -> memref<200x128xf32, #tpu.memory_space<hbm>>
    %dma_wait3A_69 = tpu.memref_slice %arg8[%dma_wait3A_60] : memref<4x!tpu.dma_semaphore, #tpu.memory_space<semaphore_mem>> -> memref<1x!tpu.dma_semaphore, #tpu.memory_space<semaphore_mem>>
    %dma_wait3A_70 = tpu.memref_squeeze %dma_wait3A_69 : memref<1x!tpu.dma_semaphore, #tpu.memory_space<semaphore_mem>> -> memref<!tpu.dma_semaphore, #tpu.memory_space<semaphore_mem>>
    %dma_wait3A_71 = arith.constant 0 : i32
    %dma_wait3A_72 = arith.constant 0 : i32
    %dma_wait3A_73 = tpu.memref_slice %arg4[%mul3A_4, %dma_wait3A_71, %dma_wait3A_72] : memref<4096x200x128xf32, #tpu.memory_space<hbm>> -> memref<1x200x128xf32, #tpu.memory_space<hbm>>
    %dma_wait3A_74 = tpu.memref_squeeze %dma_wait3A_73 : memref<1x200x128xf32, #tpu.memory_space<hbm>> -> memref<200x128xf32, #tpu.memory_space<hbm>>
    %dma_wait3A_75 = arith.constant 0 : i32
    %dma_wait3A_76 = arith.constant 0 : i32
    %dma_wait3A_77 = tpu.memref_slice %arg6[%dma_wait3A, %dma_wait3A_75, %dma_wait3A_76] : memref<4x200x128xf32, #tpu.memory_space<vmem>> -> memref<1x200x128xf32, #tpu.memory_space<vmem>>
    %dma_wait3A_78 = tpu.memref_squeeze %dma_wait3A_77 : memref<1x200x128xf32, #tpu.memory_space<vmem>> -> memref<200x128xf32, #tpu.memory_space<vmem>>
    tpu.wait_dma2 semaphore(%dma_wait3A_70 : memref<!tpu.dma_semaphore, #tpu.memory_space<semaphore_mem>>) src(%dma_wait3A_78 : memref<200x128xf32, #tpu.memory_space<vmem>>) dst(%dma_wait3A_74 : memref<200x128xf32, #tpu.memory_space<hbm>>)
    %dma_wait3A_79 = arith.constant 1 : i32
    %dma_wait3A_80 = arith.constant 1 : i32
    %dma_wait3A_81 = arith.constant 0 : i32
    %dma_wait3A_82 = arith.constant 0 : i32
    %dma_wait3A_83 = tpu.memref_slice %arg6[%dma_wait3A_79, %dma_wait3A_81, %dma_wait3A_82] : memref<4x200x128xf32, #tpu.memory_space<vmem>> -> memref<1x200x128xf32, #tpu.memory_space<vmem>>
    %dma_wait3A_84 = tpu.memref_squeeze %dma_wait3A_83 : memref<1x200x128xf32, #tpu.memory_space<vmem>> -> memref<200x128xf32, #tpu.memory_space<vmem>>
    %dma_wait3A_85 = arith.constant 0 : i32
    %dma_wait3A_86 = arith.constant 0 : i32
    %dma_wait3A_87 = tpu.memref_slice %arg4[%mul3A_4, %dma_wait3A_85, %dma_wait3A_86] : memref<4096x200x128xf32, #tpu.memory_space<hbm>> -> memref<1x200x128xf32, #tpu.memory_space<hbm>>
    %dma_wait3A_88 = tpu.memref_squeeze %dma_wait3A_87 : memref<1x200x128xf32, #tpu.memory_space<hbm>> -> memref<200x128xf32, #tpu.memory_space<hbm>>
    %dma_wait3A_89 = tpu.memref_slice %arg8[%dma_wait3A_80] : memref<4x!tpu.dma_semaphore, #tpu.memory_space<semaphore_mem>> -> memref<1x!tpu.dma_semaphore, #tpu.memory_space<semaphore_mem>>
    %dma_wait3A_90 = tpu.memref_squeeze %dma_wait3A_89 : memref<1x!tpu.dma_semaphore, #tpu.memory_space<semaphore_mem>> -> memref<!tpu.dma_semaphore, #tpu.memory_space<semaphore_mem>>
    %dma_wait3A_91 = arith.constant 0 : i32
    %dma_wait3A_92 = arith.constant 0 : i32
    %dma_wait3A_93 = tpu.memref_slice %arg4[%mul3A_4, %dma_wait3A_91, %dma_wait3A_92] : memref<4096x200x128xf32, #tpu.memory_space<hbm>> -> memref<1x200x128xf32, #tpu.memory_space<hbm>>
    %dma_wait3A_94 = tpu.memref_squeeze %dma_wait3A_93 : memref<1x200x128xf32, #tpu.memory_space<hbm>> -> memref<200x128xf32, #tpu.memory_space<hbm>>
    %dma_wait3A_95 = arith.constant 0 : i32
    %dma_wait3A_96 = arith.constant 0 : i32
    %dma_wait3A_97 = tpu.memref_slice %arg6[%dma_wait3A_79, %dma_wait3A_95, %dma_wait3A_96] : memref<4x200x128xf32, #tpu.memory_space<vmem>> -> memref<1x200x128xf32, #tpu.memory_space<vmem>>
    %dma_wait3A_98 = tpu.memref_squeeze %dma_wait3A_97 : memref<1x200x128xf32, #tpu.memory_space<vmem>> -> memref<200x128xf32, #tpu.memory_space<vmem>>
    tpu.wait_dma2 semaphore(%dma_wait3A_90 : memref<!tpu.dma_semaphore, #tpu.memory_space<semaphore_mem>>) src(%dma_wait3A_98 : memref<200x128xf32, #tpu.memory_space<vmem>>) dst(%dma_wait3A_94 : memref<200x128xf32, #tpu.memory_space<hbm>>)
    %dma_wait3A_99 = arith.constant 2 : i32
    %dma_wait3A_100 = arith.constant 2 : i32
    %dma_wait3A_101 = arith.constant 0 : i32
    %dma_wait3A_102 = arith.constant 0 : i32
    %dma_wait3A_103 = tpu.memref_slice %arg6[%dma_wait3A_99, %dma_wait3A_101, %dma_wait3A_102] : memref<4x200x128xf32, #tpu.memory_space<vmem>> -> memref<1x200x128xf32, #tpu.memory_space<vmem>>
    %dma_wait3A_104 = tpu.memref_squeeze %dma_wait3A_103 : memref<1x200x128xf32, #tpu.memory_space<vmem>> -> memref<200x128xf32, #tpu.memory_space<vmem>>
    %dma_wait3A_105 = arith.constant 0 : i32
    %dma_wait3A_106 = arith.constant 0 : i32
    %dma_wait3A_107 = tpu.memref_slice %arg4[%mul3A_4, %dma_wait3A_105, %dma_wait3A_106] : memref<4096x200x128xf32, #tpu.memory_space<hbm>> -> memref<1x200x128xf32, #tpu.memory_space<hbm>>
    %dma_wait3A_108 = tpu.memref_squeeze %dma_wait3A_107 : memref<1x200x128xf32, #tpu.memory_space<hbm>> -> memref<200x128xf32, #tpu.memory_space<hbm>>
    %dma_wait3A_109 = tpu.memref_slice %arg8[%dma_wait3A_100] : memref<4x!tpu.dma_semaphore, #tpu.memory_space<semaphore_mem>> -> memref<1x!tpu.dma_semaphore, #tpu.memory_space<semaphore_mem>>
    %dma_wait3A_110 = tpu.memref_squeeze %dma_wait3A_109 : memref<1x!tpu.dma_semaphore, #tpu.memory_space<semaphore_mem>> -> memref<!tpu.dma_semaphore, #tpu.memory_space<semaphore_mem>>
    %dma_wait3A_111 = arith.constant 0 : i32
    %dma_wait3A_112 = arith.constant 0 : i32
    %dma_wait3A_113 = tpu.memref_slice %arg4[%mul3A_4, %dma_wait3A_111, %dma_wait3A_112] : memref<4096x200x128xf32, #tpu.memory_space<hbm>> -> memref<1x200x128xf32, #tpu.memory_space<hbm>>
    %dma_wait3A_114 = tpu.memref_squeeze %dma_wait3A_113 : memref<1x200x128xf32, #tpu.memory_space<hbm>> -> memref<200x128xf32, #tpu.memory_space<hbm>>
    %dma_wait3A_115 = arith.constant 0 : i32
    %dma_wait3A_116 = arith.constant 0 : i32
    %dma_wait3A_117 = tpu.memref_slice %arg6[%dma_wait3A_99, %dma_wait3A_115, %dma_wait3A_116] : memref<4x200x128xf32, #tpu.memory_space<vmem>> -> memref<1x200x128xf32, #tpu.memory_space<vmem>>
    %dma_wait3A_118 = tpu.memref_squeeze %dma_wait3A_117 : memref<1x200x128xf32, #tpu.memory_space<vmem>> -> memref<200x128xf32, #tpu.memory_space<vmem>>
    tpu.wait_dma2 semaphore(%dma_wait3A_110 : memref<!tpu.dma_semaphore, #tpu.memory_space<semaphore_mem>>) src(%dma_wait3A_118 : memref<200x128xf32, #tpu.memory_space<vmem>>) dst(%dma_wait3A_114 : memref<200x128xf32, #tpu.memory_space<hbm>>)
    %dma_wait3A_119 = arith.constant 3 : i32
    %dma_wait3A_120 = arith.constant 3 : i32
    %dma_wait3A_121 = arith.constant 0 : i32
    %dma_wait3A_122 = arith.constant 0 : i32
    %dma_wait3A_123 = tpu.memref_slice %arg6[%dma_wait3A_119, %dma_wait3A_121, %dma_wait3A_122] : memref<4x200x128xf32, #tpu.memory_space<vmem>> -> memref<1x200x128xf32, #tpu.memory_space<vmem>>
    %dma_wait3A_124 = tpu.memref_squeeze %dma_wait3A_123 : memref<1x200x128xf32, #tpu.memory_space<vmem>> -> memref<200x128xf32, #tpu.memory_space<vmem>>
    %dma_wait3A_125 = arith.constant 0 : i32
    %dma_wait3A_126 = arith.constant 0 : i32
    %dma_wait3A_127 = tpu.memref_slice %arg4[%mul3A_4, %dma_wait3A_125, %dma_wait3A_126] : memref<4096x200x128xf32, #tpu.memory_space<hbm>> -> memref<1x200x128xf32, #tpu.memory_space<hbm>>
    %dma_wait3A_128 = tpu.memref_squeeze %dma_wait3A_127 : memref<1x200x128xf32, #tpu.memory_space<hbm>> -> memref<200x128xf32, #tpu.memory_space<hbm>>
    %dma_wait3A_129 = tpu.memref_slice %arg8[%dma_wait3A_120] : memref<4x!tpu.dma_semaphore, #tpu.memory_space<semaphore_mem>> -> memref<1x!tpu.dma_semaphore, #tpu.memory_space<semaphore_mem>>
    %dma_wait3A_130 = tpu.memref_squeeze %dma_wait3A_129 : memref<1x!tpu.dma_semaphore, #tpu.memory_space<semaphore_mem>> -> memref<!tpu.dma_semaphore, #tpu.memory_space<semaphore_mem>>
    %dma_wait3A_131 = arith.constant 0 : i32
    %dma_wait3A_132 = arith.constant 0 : i32
    %dma_wait3A_133 = tpu.memref_slice %arg4[%mul3A_4, %dma_wait3A_131, %dma_wait3A_132] : memref<4096x200x128xf32, #tpu.memory_space<hbm>> -> memref<1x200x128xf32, #tpu.memory_space<hbm>>
    %dma_wait3A_134 = tpu.memref_squeeze %dma_wait3A_133 : memref<1x200x128xf32, #tpu.memory_space<hbm>> -> memref<200x128xf32, #tpu.memory_space<hbm>>
    %dma_wait3A_135 = arith.constant 0 : i32
    %dma_wait3A_136 = arith.constant 0 : i32
    %dma_wait3A_137 = tpu.memref_slice %arg6[%dma_wait3A_119, %dma_wait3A_135, %dma_wait3A_136] : memref<4x200x128xf32, #tpu.memory_space<vmem>> -> memref<1x200x128xf32, #tpu.memory_space<vmem>>
    %dma_wait3A_138 = tpu.memref_squeeze %dma_wait3A_137 : memref<1x200x128xf32, #tpu.memory_space<vmem>> -> memref<200x128xf32, #tpu.memory_space<vmem>>
    tpu.wait_dma2 semaphore(%dma_wait3A_130 : memref<!tpu.dma_semaphore, #tpu.memory_space<semaphore_mem>>) src(%dma_wait3A_138 : memref<200x128xf32, #tpu.memory_space<vmem>>) dst(%dma_wait3A_134 : memref<200x128xf32, #tpu.memory_space<hbm>>)
    return
  }
}

</mosaic_0001>

<sc_bundles>
// kernel: kernel.3.cloned.1.call-start
scs
__scs_entry_jumppad:
0x0: {  	(pc) =	sbr.rel $0x88, $3  }
0x1: {  	(tag) =	ssettag $0x0;
	lr =	simm.s32 $0x1  }
0x2: {  	[smem:$0x3F9F] =	sst lr;
	_ =	strace $0xD0000000  }
0x3: {  	_ = 	snop  }
0x4: {  	_ = 	snop  }
0x5: {  	_ = 	snop  }
0x6: {  	_ = 	snop  }
0x7: {  	_ = 	snop  }
__scs_overlays_trampoline_lowered:
0x8: {  	[smem:$0x3FAE] =	sst s0  }
0x9: {  	[smem:$0x3FAF] =	sst s1  }
0xa: {  	[smem:$0x3FB0] =	sst s2  }
0xb: {  	[smem:$0x3FB1] =	sst s3  }
0xc: {  	[smem:$0x3FB2] =	sst s4  }
0xd: {  	[smem:$0x3FB3] =	sst s5  }
0xe: {  	[smem:$0x3FB4] =	sst s6  }
0xf: {  	[smem:$0x3FB5] =	sst s7  }
0x10: {  	[smem:$0x3FB6] =	sst s8  }
0x11: {  	[smem:$0x3FB7] =	sst s9;
	s0 =	simm.s32 @!p0 $0x0  }
0x12: {  	s1 =	sld [smem:$0x3F9D];
	s0 =	simm.s32 @p0 $0x1  }
0x13: {  	[smem:$0x3FB8] =	sst s0;
	s0 =	simm.s32 @!p1 $0x0  }
0x14: {  	s2 =	sld [smem:$0x3F9C];
	s0 =	simm.s32 @p1 $0x1  }
0x15: {  	[smem:$0x3FB9] =	sst s0;
	s0 =	simm.s32 @!p2 $0x0  }
0x16: {  	s3 =	sld [smem:$0x3FDB];
	s0 =	simm.s32 @p2 $0x1  }
0x17: {  	s4 =	simm.s32 $0x1BF5;
	[smem:$0x3FBB] =	sst s0  }
0x18: {  	s0 =	sld [smem:$0x3F9E];
	_ =	swait.ge [sflag:s4], $0x0  }
0x19: {  	s7 =	sld [smem:$0x3F9F]  }
0x1a: {  	s8 =	sadd.s32 $0xFFFFE003, lr  }
0x1b: {  	s9 =	sadd.s32 $0xFFFFFEF7, lr;
	s5 =	simm.s32 $0xFFFFFFFF;
	p2 =	slt.u32 s8, $0xFFFFF086  }
0x1c: {  	p1 =	slt.u32 s9, $0xF7A;
	s5 =	simm.s32 @!p2 $0x0  }
0x1d: {  	s5 =	simm.s32 @p1 $0x1;
	p0 =	seq.s32 s7, s2  }
0x1e: {  	s7 =	smul.u32 @!p0 $0xF7A, s2;
	p2 =	seq.s32 @!p0 s5, $0x0  }
0x1f: {  	s9 =	smul.u32 $0xF7A, s1;
	s8 =	simm.s32 @!p0 $0x1BF5;
	p2 =	por !p2, p0  }
0x20: {  	[sflag:s8] =	ssyncset.s32 @!p0 $0xFFFFF086;
	s6 =	sadd.s32 @!p0 s3, s7;
	s7 =	simm.s32 @!p0 $0x108  }
0x21: {  	s3 =	sadd.s32 s3, s9;
	s6 =	sadd.s32 @!p0 $0x88, s6;
	s7 =	simm.s32 @p2 $0x1082  }
0x22: {  	[simem:s7], [sflag:s8] =	dma.local @!p0 [hbm:s6], $0xF7A  }
0x23: {  	s9 =	sor.u32 $0xD0000000, s2;
	s6 =	simm.s32 $0x108;
	_ =	swait.ge @!p0 [sflag:s8], $0x0  }
0x24: {  	s3 =	sadd.s32 $0x88, s3;
	s6 =	simm.s32 @!p1 $0x1082;
	[sflag:s4] =	ssyncset.s32 $0xFFFFF086  }
0x25: {  	[simem:s6], [sflag:s4] =	dma.local [hbm:s3], $0xF7A  }
0x26: {  	[smem:$0x3F9F] =	sst s1;
	(tag) =	ssettag s2;
	_ =	strace s9  }
0x27: {  	s1 =	sld [smem:$0x3FAF]  }
0x28: {  	s2 =	sld [smem:$0x3FB0]  }
0x29: {  	s4 =	sld [smem:$0x3FB2]  }
0x2a: {  	p0 =	seq.s32 s5, $0x0;
	s5 =	sld [smem:$0x3FB3]  }
0x2b: {  	s6 =	sld [smem:$0x3FB4]  }
0x2c: {  	s7 =	sld [smem:$0x3FB5]  }
0x2d: {  	s3 =	simm.s32 $0x108;
	s8 =	sld [smem:$0x3FB6]  }
0x2e: {  	s3 =	simm.s32 @!p0 $0x1082;
	s9 =	sld [smem:$0x3FB7]  }
0x2f: {  	lr =	sadd.s32 s0, s3;
	s0 =	sld [smem:$0x3FAE]  }
0x30: {  	s3 =	sld [smem:$0x3FB1]  }
0x31: {  	[smem:$0x3FBA] =	sst s10  }
0x32: {  	s10 =	sld [smem:$0x3FB8];
	_ =	sdelay $0x3  }
0x33: {  	p0 =	seq.s32 s10, $0x1;
	s10 =	sld [smem:$0x3FBA];
	_ =	sdelay $0x3  }
0x34: {  	[smem:$0x3FBA] =	sst s10  }
0x35: {  	s10 =	sld [smem:$0x3FB9];
	_ =	sdelay $0x3  }
0x36: {  	p1 =	seq.s32 s10, $0x1;
	s10 =	sld [smem:$0x3FBA];
	_ =	sdelay $0x3  }
0x37: {  	[smem:$0x3FBA] =	sst s10  }
0x38: {  	s10 =	sld [smem:$0x3FBB]  }
0x39: {  	_ = 	snop;
	(pc) =	sbr.ind lr, $3  }
0x3a: {  	_ = 	snop  }
0x3b: {  	_ = 	snop  }
0x3c: {  	p2 =	seq.s32 s10, $0x1;
	s10 =	sld [smem:$0x3FBA]  }
0x3d: {  	_ =	shalt  }
0x3e: {  	_ =	shalt  }
0x3f: {  	_ =	shalt  }
0x40: {  	_ =	shalt  }
0x41: {  	_ =	shalt  }
0x42: {  	_ =	shalt  }
0x43: {  	_ =	shalt  }
0x44: {  	_ =	shalt  }
0x45: {  	_ =	shalt  }
0x46: {  	_ =	shalt  }
0x47: {  	_ =	shalt  }
0x48: {  	_ =	shalt  }
0x49: {  	_ =	shalt  }
0x4a: {  	_ =	shalt  }
0x4b: {  	_ =	shalt  }
0x4c: {  	_ =	shalt  }
0x4d: {  	_ =	shalt  }
0x4e: {  	_ =	shalt  }
0x4f: {  	_ =	shalt  }
0x50: {  	_ =	shalt  }
0x51: {  	_ =	shalt  }
0x52: {  	_ =	shalt  }
0x53: {  	_ =	shalt  }
0x54: {  	_ =	shalt  }
0x55: {  	_ =	shalt  }
0x56: {  	_ =	shalt  }
0x57: {  	_ =	shalt  }
0x58: {  	_ =	shalt  }
0x59: {  	_ =	shalt  }
0x5a: {  	_ =	shalt  }
0x5b: {  	_ =	shalt  }
0x5c: {  	_ =	shalt  }
0x5d: {  	_ =	shalt  }
0x5e: {  	_ =	shalt  }
0x5f: {  	_ =	shalt  }
0x60: {  	_ =	shalt  }
0x61: {  	_ =	shalt  }
0x62: {  	_ =	shalt  }
0x63: {  	_ =	shalt  }
0x64: {  	_ =	shalt  }
0x65: {  	_ =	shalt  }
0x66: {  	_ =	shalt  }
0x67: {  	_ =	shalt  }
0x68: {  	_ =	shalt  }
0x69: {  	_ =	shalt  }
0x6a: {  	_ =	shalt  }
0x6b: {  	_ =	shalt  }
0x6c: {  	_ =	shalt  }
0x6d: {  	_ =	shalt  }
0x6e: {  	_ =	shalt  }
0x6f: {  	_ =	shalt  }
0x70: {  	_ =	shalt  }
0x71: {  	_ =	shalt  }
0x72: {  	_ =	shalt  }
0x73: {  	_ =	shalt  }
0x74: {  	_ =	shalt  }
0x75: {  	_ =	shalt  }
0x76: {  	_ =	shalt  }
0x77: {  	_ =	shalt  }
0x78: {  	_ =	shalt  }
0x79: {  	_ =	shalt  }
0x7a: {  	_ =	shalt  }
0x7b: {  	_ =	shalt  }
0x7c: {  	_ =	shalt  }
0x7d: {  	_ =	shalt  }
0x7e: {  	_ =	shalt  }
0x7f: {  	_ =	shalt  }
0x80: {  	_ =	shalt  }
0x81: {  	_ =	shalt  }
0x82: {  	_ =	shalt  }
0x83: {  	_ =	shalt  }
0x84: {  	_ =	shalt  }
0x85: {  	_ =	shalt  }
0x86: {  	_ =	shalt  }
0x87: {  	_ =	shalt  }
.Lfunc_end0:
.L_simem_size_0:
called_computation.1_lowered:
.L_overlay_start_0:
0x88: {  	s2 =	sld [smem:$0x3FD9]  }
0x89: {  	s3 =	sld [smem:$0x3FFE];
	_ =	sdelay $0x1  }
0x8a: {  	s1 =	srdreg.scid  }
0x8b: {  	s0 =	sand.u32 $0x1, s1  }
0x8c: {  	s17 =	sshll.u32 s0, $0xA;
	s2 =	sadd.s32 s3, s2  }
0x8d: {  	s2 =	sadd.s32 s2, s17  }
0x8e: {  	[smem:$0x3FC6] =	sst s2  }
0x8f: {  	_ = 	snop  }
0x90: {  	s2 =	sld [smem:$0x3FD0];
	(tm) =	ssettm $0x1  }
0x91: {  	s18 =	sld [smem:$0x3FFB];
	_ =	sdelay $0x3  }
0x92: {  	_ =	strace s18  }
0x93: {  	s3 =	sld [smem:$0x3FFC];
	_ =	sdelay $0x3  }
0x94: {  	_ =	strace s3  }
0x95: {  	s3 =	sld [smem:$0x3FFD];
	_ =	sdelay $0x3  }
0x96: {  	_ =	strace s3  }
0x97: {  	_ =	strace $0x8FFFFFFF  }
0x98: {  	s19 =	sld [smem:$0x3FDB];
	_ =	sdelay $0x1  }
0x99: {  	s4 =	simm.s32 $_scs_section_size  }
0x9a: {  	s5 =	simm.s32 $_size__tile_overlayer_lowered;
	s6 =	simm.s32 $_tile_overlayer_lowered  }
0x9b: {  	s22 =	simm.s32 $0x1BFF;
	s21 =	sshll.u32 s6, $0x1;
	s3 =	sadd.s32 s4, s19  }
0x9c: {  	s7 =	simm.s32 $0x0;
	s20 =	sshll.u32 s5, $0x1;
	s5 =	sadd.s32 s21, s3  }
0x9d: {  	[timem:s7], [sflag:s22] =	dma.local [hbm:s5], s20  }
0x9e: {  	_ =	swait.ge [sflag:s22], s20  }
0x9f: {  	s4 =	ssub.s32 $0x0, s20;
	[sflag:s22] =	ssyncset.done $0x0  }
0xa0: {  	[sflag:s22] =	ssyncadd.s32 s4;
	_ =	sdelay $0x1  }
0xa1: {  	s23 =	simm.s32 $0x1B8B  }
0xa2: {  	_ =	swait.ge [sflag:s23], $0x1  }
0xa3: {  	[sflag:s23] =	ssyncset.done $0x0  }
0xa4: {  	s25 =	simm.s32 $0x1B8E;
	s24 =	sld [smem:$0x3FFE];
	[sflag:s23] =	ssyncadd.s32 $0xFFFFFFFF  }
0xa5: {  	s26 =	simm.s32 $execute0_lowered;
	[smem:$0x3FD2] =	sst s25  }
0xa6: {  	s5 =	sshll.u32 s26, $0x1;
	_ =	strace $0x80000046;
	[dreg:$0x1] =	wrdreg $0xFFFFFFFF  }
0xa7: {  	s28 =	simm.s32 $_size_execute0_lowered;
	s3 =	sadd.s32 s3, s5;
	[dreg:$0x0] =	wrdreg $0x0  }
0xa8: {  	s5 =	sshll.u32 s28, $0x1;
	[dreg:$0x2] =	wrdreg s3  }
0xa9: {  	[dreg:$0x3] =	wrdreg s5  }
0xaa: {  	[dreg:$0x4] =	wrdreg $0xC0  }
0xab: {  	_ =	task [dreg:s7], $0x5FFFF  }
0xac: {  	[dreg:$0x1] =	wrdreg $0xFFFFFFFF  }
0xad: {  	[dreg:$0x0] =	wrdreg $0x60  }
0xae: {  	[dreg:$0x2] =	wrdreg s2  }
0xaf: {  	[dreg:$0x3] =	wrdreg s24  }
0xb0: {  	[dreg:$0x4] =	wrdreg $0x9  }
0xb1: {  	_ =	task.clear_ibuf [dreg:s7], $0x5FFFF;
	_ =	strace $0x90000046  }
0xb2: {  	s29 =	simm.s32 $0x9;
	_ =	strace $0x80000048  }
0xb3: {  	_ =	swait.ge [sflag:s29], $0x1  }
0xb4: {  	[sflag:s29] =	ssyncadd.s32 $0xFFFFFFFF  }
0xb5: {  	_ =	strace $0x90000048  }
0xb6: {  	_ =	sfence  }
0xb7: {  	s30 =	sld [smem:$0x0];
	_ =	sdelay $0x2  }
0xb8: {  	s31 =	sshll.u32 s1, $0xD;
	s1 =	sshrl.u32 s1, $0x2  }
0xb9: {  	s3 =	sand.u32 $0x4000, s31;
	s1 =	sadd.s32 s1, s30  }
0xba: {  	s0 =	sor.u32 s3, s0;
	s1 =	sshll.u32 s1, $0x11  }
0xbb: {  	s0 =	sor.u32 s1, s0  }
0xbc: {  	s0 =	sadd.s32 $0x8F2B, s0  }
0xbd: {  	[sflag:s0] =	ssyncadd.remote.s32 $0x1  }
0xbe: {  	_ =	sfence.sel $0xFFFF  }
0xbf: {  	[dreg:$0x0] =	wrdreg $0xFFFFFFFF;
	(pc) =	sbr.abs _section_cstart, $3  }
0xc0: {  	[dreg:$0x1] =	wrdreg $0xFFFFFFFF  }
0xc1: {  	_ =	task.clear_ibuf [dreg:s7], $0x2FFFF;
	_ =	strace $0x9FFFFFFF  }
0xc2: {  	(tm) =	ssettm $0x7FFFFFFF  }
0xc3: {  	_ =	shalt  }
tec
execute0_lowered:
.L_overlay_start_1:
0x0: {  	(tag) =	ssettag $0x1  }
0x1: {  	s4 =	rddreg [dreg:$0x0]  }
0x2: {  	s5 =	rddreg [dreg:$0x1];
	s1 =	stileid.u32  }
0x3: {  	s2 =	srdreg.scid;
	s0 =	rddreg [dreg:$0x2]  }
0x4: {  	s11 =	simm.s32 $0x190;
	s12 =	simm.s32 $0x12C00;
	s13 =	simm.s32 $0x258  }
0x5: {  	s14 =	simm.s32 $0x19000;
	s15 =	simm.s32 $0x1;
	s16 =	simm.s32 $0x2  }
0x6: {  	s17 =	simm.s32 $0x3;
	s18 =	simm.s32 $0x4;
	s19 =	simm.s32 $0x5  }
0x7: {  	s20 =	simm.s32 $0x6;
	s21 =	simm.s32 $0x7;
	s22 =	simm.s32 $0x8  }
0x8: {  	s3 =	sand.u32 $0x1, s2;
	s6 =	sshll.u32 s1, $0x1;
	s7 =	smul.u32 $0xC8000, s1  }
0x9: {  	s2 =	simm.s32 $0x0;
	s6 =	sor.u32 s3, s6;
	s10 =	smul.u32 $0x64000, s3  }
0xa: {  	s23 =	simm.s32 $0x0;
	[smem:$0x7FF] =	sst s2;
	s6 =	smul.u32 $0xC80, s6  }
.Ltmp0:
0xb: {  	s8 =	ssub.s32 $0x2, s3;
	s3 =	sadd.s32 $0xF42E00, s5;
	(pc) =	sbr.rel .LBB2_1-.Ltmp0, $4  }
0xc: {  	_ =	strace $0x80000047;
	s9 =	sshrl.u32 s8, $0x1;
	s7 =	sadd.s32 s7, s5  }
0xd: {  	s30 =	ssub.s32 s8, s9;
	s31 =	sadd.s32 s10, s7;
	s7 =	simm.s32 $0x9  }
0xe: {  	s8 =	simm.s32 $0xC8;
	s9 =	simm.s32 $0x6400;
	s10 =	simm.s32 $0xC800  }
0xf: {  	s4 =	sadd.s32 s4, s6;
	s5 =	smax.u32 s30, $0x1;
	s6 =	sadd.s32 $0xA00, s31  }
.LBB2_4:
0x10: {  	_ =	swait.ge [sflag:s19], $0x6400  }
0x11: {  	[sflag:s19] =	ssyncset.done $0x0  }
0x12: {  	[sflag:s19] =	ssyncadd.s32 $0xFFFF9C00  }
0x13: {  	_ =	swait.ge [sflag:s20], $0x6400  }
0x14: {  	[sflag:s20] =	ssyncset.done $0x0  }
0x15: {  	s23 =	sadd.s32 $0x1, s23;
	[sflag:s20] =	ssyncadd.s32 $0xFFFF9C00  }
0x16: {  	p0 =	sne.s32 s23, s5;
	_ =	swait.ge [sflag:s21], $0x6400  }
.Ltmp1:
0x17: {  	[sflag:s21] =	ssyncset.done $0x0;
	(pc) =	sbr.rel @!p0 .LBB2_5-.Ltmp1, $4  }
0x18: {  	[sflag:s21] =	ssyncadd.s32 $0xFFFF9C00  }
0x19: {  	_ =	swait.ge [sflag:s22], $0x6400  }
0x1a: {  	[sflag:s22] =	ssyncset.done $0x0  }
0x1b: {  	[sflag:s22] =	ssyncadd.s32 $0xFFFF9C00  }
.LBB2_1:
0x1c: {  	[tilespmem:s2], [sflag:$0x9] =	stream.linear.gather [hbm4b:s4+s2], $0x6400, $0x38;
	[tilespmem:$0x1F400] =	vst v63  }
0x1d: {  	_ =	swait.ge [sflag:s7], $0x6400  }
0x1e: {  	[sflag:s7] =	ssyncset.done $0x0  }
0x1f: {  	[sflag:s7] =	ssyncadd.s32 $0xFFFF9C00  }
0x20: {  	[tilespmem:s9], [sflag:$0x1] =	stream.indirect.gather [hbm4b:s3+s8], $0x80, s2, s8, $0xb8;
	[tilespmem:$0x1F400] =	vst v63  }
0x21: {  	_ = 	snop  }
0x22: {  	[tilespmem:s10], [sflag:$0x2] =	stream.indirect.gather [hbm4b:s3+s8], $0x80, s8, s8, $0xb8;
	[tilespmem:$0x1F400] =	vst v63  }
0x23: {  	_ = 	snop  }
0x24: {  	[tilespmem:s12], [sflag:$0x3] =	stream.indirect.gather [hbm4b:s3+s8], $0x80, s11, s8, $0xb8;
	[tilespmem:$0x1F400] =	vst v63  }
0x25: {  	s24 =	smov.u32 s6;
	s25 =	simm.s32 $0x0  }
0x26: {  	[tilespmem:s14], [sflag:$0x4] =	stream.indirect.gather [hbm4b:s3+s8], $0x80, s13, s8, $0xb8;
	[tilespmem:$0x1F400] =	vst v63  }
.LBB2_2:
0x27: {  	_ =	swait.ge [sflag:s15], $0x6400  }
0x28: {  	p0 =	seq.s32 s25, $0x18380;
	[sflag:s15] =	ssyncset.done $0x0  }
0x29: {  	s26 =	simm.s32 @!p0 $0x5;
	[sflag:s15] =	ssyncadd.s32 $0xFFFF9C00  }
0x2a: {  	[hbm4b:s24+s2] =	stream.linear.scatter [tilespmem:s9], [sflag:$0x5], $0x6400, $0x38;
	[tilespmem:$0x1F400] =	vst v63  }
0x2b: {  	_ =	swait.ge @!p0 [sflag:s26], $0x6400  }
0x2c: {  	[sflag:s26] =	ssyncset.done @!p0 $0x0  }
0x2d: {  	[sflag:s26] =	ssyncadd.s32 @!p0 $0xFFFF9C00;
	s26 =	sshra.s32 @!p0 s25, $0x2  }
0x2e: {  	s29 =	simm.s32 @!p0 $0xC8;
	s30 =	simm.s32 @!p0 $0x6400;
	s28 =	sadd.s32 @!p0 $0x320, s26  }
0x2f: {  	[tilespmem:s30], [sflag:$0x1] =	stream.indirect.gather @!p0 [hbm4b:s3+s29], $0x80, s28, s29, $0xb8;
	[tilespmem:$0x1F400] =	vst v63  }
0x30: {  	_ =	swait.ge [sflag:s16], $0x6400  }
0x31: {  	[sflag:s16] =	ssyncset.done $0x0  }
0x32: {  	s31 =	sadd.s32 $0xC80, s24;
	s28 =	simm.s32 @!p0 $0x6;
	[sflag:s16] =	ssyncadd.s32 $0xFFFF9C00  }
0x33: {  	[hbm4b:s31+s2] =	stream.linear.scatter [tilespmem:s10], [sflag:$0x6], $0x6400, $0x38;
	[tilespmem:$0x1F400] =	vst v63  }
0x34: {  	_ =	swait.ge @!p0 [sflag:s28], $0x6400  }
0x35: {  	[sflag:s28] =	ssyncset.done @!p0 $0x0  }
0x36: {  	s30 =	simm.s32 @!p0 $0xC800;
	[sflag:s28] =	ssyncadd.s32 @!p0 $0xFFFF9C00;
	s28 =	sadd.s32 @!p0 $0x3E8, s26  }
0x37: {  	[tilespmem:s30], [sflag:$0x2] =	stream.indirect.gather @!p0 [hbm4b:s3+s29], $0x80, s28, s29, $0xb8;
	[tilespmem:$0x1F400] =	vst v63  }
0x38: {  	_ =	swait.ge [sflag:s17], $0x6400  }
0x39: {  	[sflag:s17] =	ssyncset.done $0x0  }
0x3a: {  	s30 =	sadd.s32 $0x1900, s24;
	s28 =	simm.s32 @!p0 $0x7;
	[sflag:s17] =	ssyncadd.s32 $0xFFFF9C00  }
0x3b: {  	[hbm4b:s30+s2] =	stream.linear.scatter [tilespmem:s12], [sflag:$0x7], $0x6400, $0x38;
	[tilespmem:$0x1F400] =	vst v63  }
0x3c: {  	_ =	swait.ge @!p0 [sflag:s28], $0x6400  }
0x3d: {  	[sflag:s28] =	ssyncset.done @!p0 $0x0  }
0x3e: {  	s26 =	sadd.s32 @!p0 $0x4B0, s26;
	[sflag:s28] =	ssyncadd.s32 @!p0 $0xFFFF9C00;
	s28 =	simm.s32 @!p0 $0x12C00  }
0x3f: {  	[tilespmem:s28], [sflag:$0x3] =	stream.indirect.gather @!p0 [hbm4b:s3+s29], $0x80, s26, s29, $0xb8;
	[tilespmem:$0x1F400] =	vst v63  }
.Ltmp2:
0x40: {  	_ = 	snop;
	(pc) =	sbr.rel @p0 .LBB2_4-.Ltmp2, $4  }
0x41: {  	_ =	swait.ge [sflag:s18], $0x6400  }
0x42: {  	[sflag:s18] =	ssyncset.done $0x0  }
0x43: {  	s31 =	sadd.s32 $0x2580, s24;
	[sflag:s18] =	ssyncadd.s32 $0xFFFF9C00  }
0x44: {  	[hbm4b:s31+s2] =	stream.linear.scatter [tilespmem:s14], [sflag:$0x8], $0x6400, $0x38;
	[tilespmem:$0x1F400] =	vst v63  }
.Ltmp3:
0x45: {  	(pc) =	sbr.rel .LBB2_2-.Ltmp3, $4  }
0x46: {  	_ =	swait.ge [sflag:s22], $0x6400  }
0x47: {  	s26 =	sshra.s32 s25, $0x2;
	s25 =	sadd.s32 $0xC80, s25;
	[sflag:s22] =	ssyncset.done $0x0  }
0x48: {  	s24 =	sadd.s32 $0x3200, s24;
	s26 =	sadd.s32 $0x578, s26;
	[sflag:s22] =	ssyncadd.s32 $0xFFFF9C00  }
0x49: {  	[tilespmem:s14], [sflag:$0x4] =	stream.indirect.gather [hbm4b:s3+s8], $0x80, s26, s8, $0xb8;
	[tilespmem:$0x1F400] =	vst v63  }
.LBB2_5:
0x4a: {  	_ =	sfence.sel $0x180000  }
0x4b: {  	[bflag:$0x0] =	sbarrier.arrive $0xFFFF  }
0x4c: {  	p0 =	sne.s32 s1, $0x0;
	_ =	strace $0x90000047  }
0x4d: {  	s0 =	sadd.s32 @!p0 $0x100000, s0;
	[bflag:$0x2] =	sbarrier.arrive $0xFFFF  }
0x4e: {  	[sflag:s0] =	ssyncadd.tile.s32 @!p0 $0x1;
	_ =	shalt  }
.Lfunc_end2:
_tile_overlayer_lowered:
.L_overlay_start_2:
0x4f: {  	(tag) =	ssettag $0x2  }
0x50: {  	s0 =	rddreg [dreg:$0x0];
	s2 =	stileid.u32  }
0x51: {  	s1 =	rddreg [dreg:$0x1];
	p0 =	sne.s32 s2, $0x0  }
0x52: {  	s3 =	rddreg [dreg:$0x2];
	[bflag:$0x3] =	sbarrier.arrive $0xFFFF;
	s2 =	simm.s32 @!p0 $0x1C09  }
0x53: {  	[timem:s3], [sflag:s2] =	dma.local @!p0 [hbm:s0], s1  }
0x54: {  	s0 =	simm.s32 @!p0 $0x9  }
0x55: {  	_ =	swait.ge @!p0 [sflag:s0], s1  }
0x56: {  	s1 =	ssub.s32 @!p0 $0x0, s1;
	[sflag:s0] =	ssyncset.done @!p0 $0x0  }
0x57: {  	[sflag:s0] =	ssyncadd.s32 @!p0 s1  }
0x58: {  	[bflag:$0x3] =	sbarrier.arrive $0xFFFF  }
0x59: {  	_ =	shalt  }

// kernel: sparse-core-data-format-call.cloned.1.call-start
scs
called_computation_lowered:
.L_overlay_start_0:
0x0: {  	s2 =	sld [smem:$0x3FD9]  }
0x1: {  	s3 =	sld [smem:$0x3FFE];
	_ =	sdelay $0x1  }
0x2: {  	s1 =	srdreg.scid  }
0x3: {  	s0 =	sand.u32 $0x1, s1  }
0x4: {  	s18 =	sshll.u32 s0, $0xA;
	s2 =	sadd.s32 s3, s2  }
0x5: {  	s2 =	sadd.s32 s2, s18  }
0x6: {  	[smem:$0x3FC6] =	sst s2  }
0x7: {  	_ = 	snop  }
0x8: {  	s2 =	sld [smem:$0x3FD0];
	(tm) =	ssettm $0x1  }
0x9: {  	s19 =	sld [smem:$0x3FFB];
	_ =	sdelay $0x3  }
0xa: {  	_ =	strace s19  }
0xb: {  	s3 =	sld [smem:$0x3FFC];
	_ =	sdelay $0x3  }
0xc: {  	_ =	strace s3  }
0xd: {  	s3 =	sld [smem:$0x3FFD];
	_ =	sdelay $0x3  }
0xe: {  	_ =	strace s3  }
0xf: {  	_ =	strace $0x8FFFFFFF  }
0x10: {  	s20 =	sld [smem:$0x3FDB];
	_ =	sdelay $0x1  }
0x11: {  	s4 =	simm.s32 $_scs_section_size  }
0x12: {  	s5 =	simm.s32 $_size__tile_overlayer_lowered;
	s6 =	simm.s32 $_tile_overlayer_lowered  }
0x13: {  	s23 =	simm.s32 $0x1BFF;
	s22 =	sshll.u32 s6, $0x1;
	s3 =	sadd.s32 s4, s20  }
0x14: {  	s7 =	simm.s32 $0x0;
	s21 =	sshll.u32 s5, $0x1;
	s5 =	sadd.s32 s22, s3  }
0x15: {  	[timem:s7], [sflag:s23] =	dma.local [hbm:s5], s21  }
0x16: {  	_ =	swait.ge [sflag:s23], s21  }
0x17: {  	s4 =	ssub.s32 $0x0, s21;
	[sflag:s23] =	ssyncset.done $0x0  }
0x18: {  	[sflag:s23] =	ssyncadd.s32 s4;
	_ =	sdelay $0x1  }
0x19: {  	s24 =	simm.s32 $0x1B8B  }
0x1a: {  	_ =	swait.ge [sflag:s24], $0x1  }
0x1b: {  	[sflag:s24] =	ssyncset.done $0x0  }
0x1c: {  	s26 =	simm.s32 $0x1B8E;
	s25 =	sld [smem:$0x3FFE];
	[sflag:s24] =	ssyncadd.s32 $0xFFFFFFFF  }
0x1d: {  	s27 =	simm.s32 $execute0_lowered;
	[smem:$0x3FD2] =	sst s26  }
0x1e: {  	s5 =	sshll.u32 s27, $0x1;
	_ =	strace $0x80000049;
	[dreg:$0x1] =	wrdreg $0xFFFFFFFF  }
0x1f: {  	s28 =	simm.s32 $_size_execute0_lowered;
	s3 =	sadd.s32 s3, s5;
	[dreg:$0x0] =	wrdreg $0x0  }
0x20: {  	s5 =	sshll.u32 s28, $0x1;
	[dreg:$0x2] =	wrdreg s3  }
0x21: {  	[dreg:$0x3] =	wrdreg s5  }
0x22: {  	[dreg:$0x4] =	wrdreg $0xC0  }
0x23: {  	_ =	task [dreg:s7], $0x5FFFF  }
0x24: {  	[dreg:$0x1] =	wrdreg $0xFFFFFFFF  }
0x25: {  	[dreg:$0x0] =	wrdreg $0x60  }
0x26: {  	[dreg:$0x2] =	wrdreg s25  }
0x27: {  	[dreg:$0x3] =	wrdreg s2  }
0x28: {  	[dreg:$0x4] =	wrdreg $0x9  }
0x29: {  	_ =	task.clear_ibuf [dreg:s7], $0x5FFFF;
	_ =	strace $0x90000049  }
0x2a: {  	s29 =	simm.s32 $0x9;
	_ =	strace $0x8000004B  }
0x2b: {  	_ =	swait.ge [sflag:s29], $0x1  }
0x2c: {  	[sflag:s29] =	ssyncadd.s32 $0xFFFFFFFF  }
0x2d: {  	_ =	strace $0x9000004B  }
0x2e: {  	_ =	sfence  }
0x2f: {  	s30 =	sld [smem:$0x0];
	_ =	sdelay $0x2  }
0x30: {  	s31 =	sshll.u32 s1, $0xD;
	s1 =	sshrl.u32 s1, $0x2  }
0x31: {  	s3 =	sand.u32 $0x4000, s31;
	s1 =	sadd.s32 s1, s30  }
0x32: {  	s0 =	sor.u32 s3, s0;
	s1 =	sshll.u32 s1, $0x11  }
0x33: {  	s0 =	sor.u32 s1, s0  }
0x34: {  	s0 =	sadd.s32 $0x8F2B, s0  }
0x35: {  	[sflag:s0] =	ssyncadd.remote.s32 $0x1  }
0x36: {  	_ =	sfence.sel $0xFFFF  }
0x37: {  	[dreg:$0x0] =	wrdreg $0xFFFFFFFF;
	(pc) =	sbr.abs _section_cstart, $3  }
0x38: {  	[dreg:$0x1] =	wrdreg $0xFFFFFFFF  }
0x39: {  	_ =	task.clear_ibuf [dreg:s7], $0x2FFFF;
	_ =	strace $0x9FFFFFFF  }
0x3a: {  	(tm) =	ssettm $0x7FFFFFFF  }
0x3b: {  	_ =	shalt  }
tec
execute0_lowered:
.L_overlay_start_1:
0x0: {  	(tag) =	ssettag $0x1  }
0x1: {  	s0 =	srdreg.scid  }
0x2: {  	s1 =	sshll.u32 s0, $0x4  }
0x3: {  	s0 =	stileid.u32;
	s1 =	sand.u32 $0x10, s1  }
0x4: {  	s1 =	sor.u32 s0, s1  }
0x5: {  	s6 =	rddreg [dreg:$0x0];
	s4 =	simm.s32 $0x1;
	s2 =	sshll.u32 s1, $0x7  }
0x6: {  	s7 =	simm.s32 $0x2;
	s12 =	simm.s32 $0x0;
	s1 =	ssub.s32 $0x1000, s2  }
0x7: {  	s8 =	simm.s32 $0x8000;
	s13 =	simm.s32 $0x0;
	s3 =	sand.u32 $0xF80, s1  }
0x8: {  	s9 =	simm.s32 $0x0;
	s5 =	sshrl.u32 s1, $0xC;
	p0 =	sne.s32 s3, $0x0  }
.Ltmp0:
0x9: {  	s1 =	rddreg [dreg:$0x2];
	s4 =	simm.s32 @!p0 $0x0;
	(pc) =	sbr.rel .LBB1_1-.Ltmp0, $4  }
0xa: {  	s11 =	simm.s32 $0x0;
	s3 =	rddreg [dreg:$0x1];
	s5 =	sadd.s32 s4, s5  }
0xb: {  	_ =	strace $0x8000004A;
	s4 =	simm.s32 $0x1;
	s5 =	smul.u32 $0xC8, s5  }
0xc: {  	s6 =	sadd.s32 $0xA00, s6;
	s10 =	smov.u32 s2;
	[sflag:s4] =	ssyncpa.u1 $0x0  }
0xd: {  	p0 =	por $0x0, $0x0;
	[sflag:s7] =	ssyncpa.u1 $0x0;
	s7 =	sor.u32 $0x1, s5  }
.LBB1_4:
0xe: {  	s16 =	sshll.u32 s13, $0x3;
	s17 =	sand.u32 $0x78, s13  }
0xf: {  	s30 =	sand.u32 $0x7E00, s13;
	s12 =	sshll.u32 s12, $0xF;
	s16 =	sand.u32 $0xC00, s16  }
0x10: {  	[tilespmem:s15+$0x810 ss:$0x81] =	vst.msk $0xffff, v2;
	s31 =	sand.u32 $0x7, s13;
	s16 =	sor.u32 s17, s16;
	s17 =	sadd.s32 s3, s30  }
0x11: {  	[tilespmem:s15+$0x1020 ss:$0x81] =	vst.msk $0xffff, v0;
	s13 =	sshll.u32 s31, $0x12;
	s12 =	sadd.s32 s12, s17;
	s16 =	sshrl.u32 s16, $0x3  }
0x12: {  	[tilespmem:s15+$0x0 ss:$0x81] =	vst.msk $0xffff, v1;
	s13 =	sor.u32 $0x400, s13;
	s12 =	sadd.s32 s16, s12  }
0x13: {  	[hbm4b:s12+s13] =	stream.strided.scatter [tilespmem:s14], [sflag:$0x2], $0x2000, s8, s13, $0x20;
	[tilespmem:$0x8080] =	vst v63  }
.LBB1_5:
0x14: {  	s14 =	sadd.s32 $0x1, s9  }
0x15: {  	s12 =	sadd.s32 $0x1000, s10;
	s16 =	smov.u32 s10;
	p2 =	sgt.s32 s14, $0xC7  }
0x16: {  	s16 =	smov.u32 @p2 s12  }
0x17: {  	s14 =	simm.s32 @p2 $0x0;
	p2 =	sgt.s32 s16, $0xFFF  }
0x18: {  	s16 =	smov.u32 @p2 s2;
	p2 =	sne.s32 s11, s7  }
.Ltmp1:
0x19: {  	p1 =	slt.u32 s11, $0x2;
	(pc) =	sbr.rel @!p2 .LBB1_6-.Ltmp1, $4  }
0x1a: {  	s15 =	simm.s32 @!p1 $0x2  }
0x1b: {  	s13 =	smov.u32 s10;
	p0 =	por !p0, !p0;
	_ =	swait.ge @!p1 [sflag:s15], $0x2000  }
0x1c: {  	s12 =	smov.u32 s9;
	[sflag:s15] =	ssyncset.done @!p1 $0x0;
	s9 =	smov.u32 s14  }
0x1d: {  	s11 =	sadd.s32 $0x1, s11;
	[sflag:s15] =	ssyncadd.s32 @!p1 $0xFFFFE000;
	s10 =	smov.u32 s16  }
.LBB1_1:
0x1e: {  	p1 =	sge.u32 s11, s5  }
0x1f: {  	s14 =	sand.u32 @!p1 $0x1FFFFFF, s9  }
0x20: {  	s15 =	smulhi.u32 @!p1 $0x147AE15, s14;
	_ =	sdelay $0x1  }
0x21: {  	s15 =	smul.u32 @!p1 $0xC8, s15  }
0x22: {  	s16 =	sxor.u32 @!p1 $0xFFFFFFFF, s11;
	s17 =	smul.u32 @!p1 $0xC80, s10  }
0x23: {  	s31 =	sadd.s32 $0xFFFFFFFF, s11;
	s16 =	sshll.u32 @!p1 s16, $0xD;
	s14 =	ssub.s32 @!p1 s14, s15  }
0x24: {  	s15 =	sand.u32 @!p1 $0x2000, s16;
	s16 =	sadd.s32 @!p1 s6, s17;
	s14 =	sshll.u32 @!p1 s14, $0x4  }
0x25: {  	s17 =	simm.s32 @!p1 $0x6400;
	s14 =	sadd.s32 @!p1 s14, s16;
	s16 =	simm.s32 @!p1 $0x40  }
0x26: {  	[tilespmem:s15], [sflag:$0x1] =	stream.strided.gather @!p1 [hbm4b:s14+s16], $0x2000, s17, s16, $0x38;
	[tilespmem:$0x8080] =	vst v63  }
0x27: {  	p1 =	sge.u32 s31, s5  }
.Ltmp2:
0x28: {  	_ = 	snop;
	(pc) =	sbr.rel @p1 .LBB1_5-.Ltmp2, $1  }
0x29: {  	_ =	sdelay $0x3  }
0x2a: {  	s14 =	simm.s32 $0x1  }
0x2b: {  	_ =	swait.ge [sflag:s4], $0x2000;
	s14 =	simm.s32 @!p0 $0x0  }
0x2c: {  	[sflag:s4] =	ssyncset.done $0x0;
	s15 =	sshll.u32 s14, $0xD  }
0x2d: {  	[sflag:s4] =	ssyncadd.s32 $0xFFFFE000;
	s18 =	sor.u32 $0x20, s15  }
0x2e: {  	s14 =	smul.u32 $0x8100, s14;
	v3 =	vld [tilespmem:s18+$0x10]  }
0x2f: {  	s30 =	sand.u32 $0x1, s11;
	v2 =	vld [tilespmem:s18+$0xFFFFFFF0]  }
0x30: {  	s15 =	smul.u32 $0x8100, s30;
	s14 =	sshrl.u32 s14, $0x2;
	v0 =	vld [tilespmem:s18+$0x0]  }
0x31: {  	v1 =	vld [tilespmem:s18+$0xFFFFFFE0];
	s16 =	sor.u32 $0x4000, s14  }
0x32: {  	s31 =	sshrl.u32 s15, $0x2;
	s15 =	sadd.s32 $0x0, s16  }
0x33: {  	s17 =	simm.s32 $0x4;
	s18 =	sadd.s32 $0x40, s18;
	s14 =	sor.u32 $0x4000, s31;
	[tilespmem:s15+$0x1830 ss:$0x81] =	vst.msk $0xffff, v3  }
.LBB1_3:
0x34: {  	v3 =	vld [tilespmem:s18+$0x10];
	p1 =	sne.s32 s17, $0x1FC;
	[tilespmem:s15+$0x810 ss:$0x81] =	vst.msk $0xffff, v2;
	s19 =	smov.u32 s17;
	s17 =	sadd.s32 $0x4, s17  }
.Ltmp3:
0x35: {  	v2 =	vld [tilespmem:s18+$0xFFFFFFF0];
	[tilespmem:s15+$0x1020 ss:$0x81] =	vst.msk $0xffff, v0;
	(pc) =	sbr.rel @p1 .LBB1_3-.Ltmp3, $4  }
0x36: {  	v0 =	vld [tilespmem:s18+$0x0];
	[tilespmem:s15+$0x0 ss:$0x81] =	vst.msk $0xffff, v1  }
0x37: {  	s15 =	sshra.s32 s19, $0x2;
	v1 =	vld [tilespmem:s18+$0xFFFFFFE0]  }
0x38: {  	s15 =	sadd.s32 s15, s16  }
0x39: {  	s18 =	sadd.s32 $0x40, s18;
	[tilespmem:s15+$0x1830 ss:$0x81] =	vst.msk $0xffff, v3  }
.Ltmp4:
0x3a: {  	_ = 	snop;
	(pc) =	sbr.rel .LBB1_4-.Ltmp4, $1  }
0x3b: {  	_ =	sdelay $0x3  }
.LBB1_6:
0x3c: {  	_ =	sfence.sel $0x180000  }
0x3d: {  	s2 =	simm.s32 $0x1;
	[bflag:$0x0] =	sbarrier.arrive $0xFFFF  }
0x3e: {  	s31 =	simm.s32 $0x2;
	[sflag:s2] =	ssyncpa.u1 $0x1  }
0x3f: {  	[sflag:s31] =	ssyncpa.u1 $0x1  }
0x40: {  	p0 =	sne.s32 s0, $0x0;
	_ =	strace $0x9000004A  }
0x41: {  	s0 =	sadd.s32 @!p0 $0x100000, s1;
	[bflag:$0x2] =	sbarrier.arrive $0xFFFF  }
0x42: {  	[sflag:s0] =	ssyncadd.tile.s32 @!p0 $0x1;
	_ =	shalt  }
.Lfunc_end1:
_tile_overlayer_lowered:
.L_overlay_start_2:
0x43: {  	(tag) =	ssettag $0x2  }
0x44: {  	s0 =	rddreg [dreg:$0x0];
	s2 =	stileid.u32  }
0x45: {  	s1 =	rddreg [dreg:$0x1];
	p0 =	sne.s32 s2, $0x0  }
0x46: {  	s3 =	rddreg [dreg:$0x2];
	[bflag:$0x3] =	sbarrier.arrive $0xFFFF;
	s2 =	simm.s32 @!p0 $0x1C01  }
0x47: {  	[timem:s3], [sflag:s2] =	dma.local @!p0 [hbm:s0], s1  }
0x48: {  	s0 =	simm.s32 @!p0 $0x1  }
0x49: {  	_ =	swait.ge @!p0 [sflag:s0], s1  }
0x4a: {  	s1 =	ssub.s32 @!p0 $0x0, s1;
	[sflag:s0] =	ssyncset.done @!p0 $0x0  }
0x4b: {  	[sflag:s0] =	ssyncadd.s32 @!p0 s1  }
0x4c: {  	[bflag:$0x3] =	sbarrier.arrive $0xFFFF  }
0x4d: {  	_ =	shalt  }

</sc_bundles>
